<compile_context>
chip_gen: v7x
topology: tpu7x:2x2x1
jax: 0.10.2.dev20260603
libtpu: 0.0.44.dev20260713+nightly
codegen_flags: <defaults>
</compile_context>

<pallas_src>
import functools

import jax
import jax.numpy as jnp
from jax import lax
from jax.experimental import pallas as pl
from jax.experimental.pallas import tpu as pltpu
from jax.experimental.pallas import tpu_sc as plsc

N = 10000
C = 128
E = 320000
NC = 2
NS = 16
NW = NC * NS
EPT = E // NW
CH = 128
NCH = 80
EPTP = NCH * CH
NPAD = 10112
ROWS = NPAD // NS
PADROW = N

_mesh = plsc.VectorSubcoreMesh(
    core_axis_name="c", subcore_axis_name="s", num_cores=NC, num_subcores=NS)


HR = NCH

@functools.partial(
    pl.kernel,
    out_type=jax.ShapeDtypeStruct((NC, HR, CH), jnp.float32),
    mesh=_mesh,
    compiler_params=pltpu.CompilerParams(needs_layout_passes=False),
    scratch_types=[
        pltpu.VMEM((EPT,), jnp.int32),
        pltpu.VMEM((HR, CH), jnp.float32),
        pltpu.VMEM((HR,), jnp.int32),
        pltpu.VMEM_SHARED((HR, CH), jnp.float32),
    ],
)
def _deg_kernel(dst_hbm, rowidx_hbm, zeros_hbm, out_hbm,
                di_all, hist, rowidx_v, acc):
    cid = lax.axis_index("c")
    sid = lax.axis_index("s")
    tid = sid * NC + cid
    pltpu.sync_copy(dst_hbm.at[pl.ds(tid * EPT, EPT)], di_all)
    pltpu.sync_copy(rowidx_hbm, rowidx_v)
    pltpu.sync_copy(zeros_hbm, acc.at[pl.ds(sid * (HR // NS), HR // NS)])

    zero16 = jnp.zeros((16,), jnp.float32)

    def zbody(r, carry):
        for k in range(8):
            hist[r, pl.ds(k * 16, 16)] = zero16
        return carry

    lax.fori_loop(0, HR, zbody, 0)
    plsc.subcore_barrier()

    ones = jnp.full((16,), 1.0, jnp.float32)

    def body(r, carry):
        for k in range(8):
            idx = di_all[pl.ds(r * CH + k * 16, 16)]
            plsc.addupdate_scatter(hist, [idx >> 7, idx & 127], ones)
        return carry

    lax.fori_loop(0, EPT // CH, body, 0)
    for k in range((EPT % CH) // 16):
        idx = di_all[pl.ds((EPT // CH) * CH + k * 16, 16)]
        plsc.addupdate_scatter(hist, [idx >> 7, idx & 127], ones)

    pltpu.sync_copy(hist, acc.at[rowidx_v], add=True)
    plsc.subcore_barrier()

    @pl.when(sid < HR // 8)
    def _():
        pltpu.sync_copy(acc.at[pl.ds(sid * 8, 8)],
                        out_hbm.at[cid, pl.ds(sid * 8, 8)])


SCH = 80
SNCH = EPT // SCH

@functools.partial(
    pl.kernel,
    out_type=jax.ShapeDtypeStruct((NC, NPAD, C), jnp.float32),
    mesh=_mesh,
    scratch_types=[
        pltpu.VMEM((EPT,), jnp.int32),
        pltpu.VMEM((SCH,), jnp.int32),
        pltpu.VMEM((SCH, C), jnp.float32),
        pltpu.VMEM((SCH, C), jnp.float32),
        pltpu.VMEM((SCH, C), jnp.float32),
        pltpu.SemaphoreType.DMA,
        pltpu.SemaphoreType.DMA,
        pltpu.SemaphoreType.DMA,
        pltpu.VMEM_SHARED((NPAD, C), jnp.float32),
    ],
)
def _scatter_kernel(src_hbm, dst_hbm, y_hbm, zeros_hbm, out_hbm,
                    si_all, di_v, rows0, rows1, rows2, sem0, sem1, sem2, acc):
    cid = lax.axis_index("c")
    sid = lax.axis_index("s")
    tid = sid * NC + cid
    base = tid * EPT
    pltpu.sync_copy(src_hbm.at[pl.ds(base, EPT)], si_all)
    pltpu.sync_copy(zeros_hbm, acc.at[pl.ds(sid * ROWS, ROWS)])
    plsc.subcore_barrier()

    rows = (rows0, rows1, rows2)
    sems = (sem0, sem1, sem2)
    pltpu.async_copy(y_hbm.at[si_all.at[pl.ds(0, SCH)]], rows0, sem0)
    pltpu.async_copy(y_hbm.at[si_all.at[pl.ds(SCH, SCH)]], rows1, sem1)

    def outer(j, carry):
        for b in range(3):
            i = j * 3 + b
            pltpu.make_async_copy(y_hbm.at[si_all.at[pl.ds(i * SCH, SCH)]],
                                  rows[b], sems[b]).wait()
            nb = (b + 2) % 3
            pltpu.async_copy(y_hbm.at[si_all.at[pl.ds((i + 2) * SCH, SCH)]],
                             rows[nb], sems[nb])
            pltpu.sync_copy(dst_hbm.at[pl.ds(base + i * SCH, SCH)], di_v)
            pltpu.sync_copy(rows[b], acc.at[di_v], add=True)
        return carry

    lax.fori_loop(0, (SNCH - 2) // 3, outer, 0)
    for i in (SNCH - 2, SNCH - 1):
        b = i % 3
        pltpu.make_async_copy(y_hbm.at[si_all.at[pl.ds(i * SCH, SCH)]],
                              rows[b], sems[b]).wait()
        pltpu.sync_copy(dst_hbm.at[pl.ds(base + i * SCH, SCH)], di_v)
        pltpu.sync_copy(rows[b], acc.at[di_v], add=True)
    plsc.subcore_barrier()
    pltpu.sync_copy(acc.at[pl.ds(sid * ROWS, ROWS)],
                    out_hbm.at[cid, pl.ds(sid * ROWS, ROWS)])


def _bnmm_body(x_ref, g_ref, be_ref, w_ref, d0_ref, d1_ref, y_ref):
    x = x_ref[...]
    mean = jnp.mean(x, axis=0, keepdims=True)
    xc = x - mean
    var = jnp.mean(xc * xc, axis=0, keepdims=True)
    xh = xc * lax.rsqrt(var + 1e-5) * g_ref[...] + be_ref[...]
    xw = jnp.dot(xh, w_ref[...], preferred_element_type=jnp.float32)
    deg = d0_ref[...] + d1_ref[...] + 1.0
    y_ref[...] = xw * lax.rsqrt(deg)


_bnmm_call = pl.pallas_call(
    _bnmm_body, out_shape=jax.ShapeDtypeStruct((N, C), jnp.float32))


def _fin_body(p_ref, y_ref, d0_ref, d1_ref, b_ref, o_ref):
    deg = d0_ref[...] + d1_ref[...] + 1.0
    dis = lax.rsqrt(deg)
    s = p_ref[0, 0:N] + p_ref[1, 0:N] + y_ref[...]
    o_ref[...] = jnp.maximum(s * dis + b_ref[...], 0.0)


_fin_call = pl.pallas_call(
    _fin_body, out_shape=jax.ShapeDtypeStruct((N, C), jnp.float32))


def kernel(x, edge_index, bn_gamma, bn_beta, W, b):
    src = edge_index[0].astype(jnp.int32).reshape(E)
    dst = edge_index[1].astype(jnp.int32).reshape(E)
    zeros_c = jnp.zeros((ROWS, C), jnp.float32)
    rowidx = jnp.arange(HR, dtype=jnp.int32)
    zeros_h = jnp.zeros((HR // NS, CH), jnp.float32)
    degp = _deg_kernel(dst, rowidx, zeros_h)
    d0 = degp[0].reshape(HR * CH)[:N].reshape(N, 1)
    d1 = degp[1].reshape(HR * CH)[:N].reshape(N, 1)
    y = _bnmm_call(x, bn_gamma.reshape(1, C), bn_beta.reshape(1, C), W, d0, d1)
    p = _scatter_kernel(src, dst, y, zeros_c)
    return _fin_call(p, y, d0, d1, b.reshape(1, C))

# --- scband reference (transcript-rebuilt; emitter-appended) ---
"""Pipeline reference for scband-conv-block-47519518163430 (READ-ONLY COPY).

The authoritative reference and input builder live on the scoring server;
editing this copy changes nothing except your own understanding.
"""

import jax, jax.numpy as jnp
import numpy as np

N_NODES = 10000
C_IN = 128
C_OUT = 128
N_EDGES = 320000


def setup_inputs(seed: int = 0) -> dict:
    key = jax.random.key(seed)
    k1, k2, k3, k4 = jax.random.split(key, 4)
    x = jax.random.normal(k1, (N_NODES, C_IN), dtype=jnp.float32)
    edge_index = jax.random.randint(k2, (2, N_EDGES), 0, N_NODES, dtype=jnp.int64)
    bn_gamma = jnp.ones((C_IN,), dtype=jnp.float32)
    bn_beta = jnp.zeros((C_IN,), dtype=jnp.float32)
    # GCNConv weight: glorot init, shape [C_in, C_out]
    limit = float(np.sqrt(6.0 / (C_IN + C_OUT)))
    W = jax.random.uniform(k3, (C_IN, C_OUT), minval=-limit, maxval=limit, dtype=jnp.float32)
    b = jnp.zeros((C_OUT,), dtype=jnp.float32)
    return {"x": x, "edge_index": edge_index, "bn_gamma": bn_gamma, "bn_beta": bn_beta, "W": W, "b": b}


def reference(x, edge_index, bn_gamma, bn_beta, W, b):
    N = x.shape[0]
    # BatchNorm1d (training mode: batch statistics, biased variance)
    mean = jnp.mean(x, axis=0)
    var = jnp.var(x, axis=0)
    xh = (x - mean) / jnp.sqrt(var + 1e-5) * bn_gamma + bn_beta
    # GCNConv: add self loops
    loop = jnp.arange(N, dtype=edge_index.dtype)
    src = jnp.concatenate([edge_index[0], loop])
    dst = jnp.concatenate([edge_index[1], loop])
    # linear transform
    xw = xh @ W
    # symmetric normalization: deg computed on dst with unit edge weights
    deg = jnp.zeros((N,), dtype=xw.dtype).at[dst].add(jnp.ones_like(dst, dtype=xw.dtype))
    deg_inv_sqrt = jnp.where(deg > 0, jax.lax.rsqrt(jnp.where(deg > 0, deg, 1.0)), 0.0)
    norm = deg_inv_sqrt[src] * deg_inv_sqrt[dst]
    # gather messages from src, scale, scatter-add to dst
    msgs = norm[:, None] * jnp.take(xw, src, axis=0)
    out = jnp.zeros((N, xw.shape[1]), dtype=xw.dtype).at[dst].add(msgs)
    out = out + b
    return jax.nn.relu(out)

if __name__ == "__main__":
    import jax
    _d = setup_inputs()
    print(jax.jit(kernel)(*tuple(_d.values())))

</pallas_src>

<mosaic_0001>
#map = affine_map<(d0, d1) -> (0)>
#map1 = affine_map<(d0, d1) -> (0, 0)>
#map2 = affine_map<(d0, d1) -> (0, 0, 0)>
module attributes {stable_mosaic.version = 14 : i64} {
  func.func @_deg_kernel(%arg0: i32, %arg1: i32, %arg2: memref<320000xi32, #tpu.memory_space<hbm>>, %arg3: memref<80xi32, #tpu.memory_space<hbm>>, %arg4: memref<5x128xf32, #tpu.memory_space<hbm>>, %arg5: memref<2x80x128xf32, #tpu.memory_space<hbm>>, %arg6: memref<10000xi32, #tpu.memory_space<vmem>>, %arg7: memref<80x128xf32, #tpu.memory_space<vmem>>, %arg8: memref<80xi32, #tpu.memory_space<vmem>>, %arg9: memref<80x128xf32, #tpu.memory_space<vmem_shared>>) attributes {dimension_semantics = [#tpu.dimension_semantics<core_parallel>, #tpu.dimension_semantics<subcore_parallel>], iteration_bounds = array<i64: 2, 16>, scalar_prefetch = 0 : i64, scratch_operands = 4 : i64, tpu.core_type = #tpu.core_type<sc_vector_subcore>, window_params = [{transform_indices = #map}, {transform_indices = #map}, {transform_indices = #map1}, {transform_indices = #map2}]} {
    %mul3A = arith.constant 2 : i32
    %mul3A_0 = arith.muli %arg1, %mul3A : i32
    %add3A = arith.addi %mul3A_0, %arg0 : i32
    %mul3A_1 = arith.constant 10000 : i32
    %mul3A_2 = arith.muli %add3A, %mul3A_1 : i32
    "tpu.region"() ({
      %run_scoped3A = tpu.sem_alloc : memref<!tpu.dma_semaphore, #tpu.memory_space<semaphore_mem>>
      %dma_start3A = tpu.memref_slice %arg2[%mul3A_2] : memref<320000xi32, #tpu.memory_space<hbm>> -> memref<10000xi32, #tpu.memory_space<hbm>>
      %dma_start3A_27 = tpu.memref_slice %arg2[%mul3A_2] : memref<320000xi32, #tpu.memory_space<hbm>> -> memref<10000xi32, #tpu.memory_space<hbm>>
      tpu.enqueue_dma source(%dma_start3A_27 : memref<10000xi32, #tpu.memory_space<hbm>>) target(%arg6 : memref<10000xi32, #tpu.memory_space<vmem>>) target_semaphore(%run_scoped3A : memref<!tpu.dma_semaphore, #tpu.memory_space<semaphore_mem>>)
      %dma_wait3A = tpu.memref_slice %arg2[%mul3A_2] : memref<320000xi32, #tpu.memory_space<hbm>> -> memref<10000xi32, #tpu.memory_space<hbm>>
      %dma_wait3A_28 = tpu.memref_slice %arg2[%mul3A_2] : memref<320000xi32, #tpu.memory_space<hbm>> -> memref<10000xi32, #tpu.memory_space<hbm>>
      tpu.wait_dma2 semaphore(%run_scoped3A : memref<!tpu.dma_semaphore, #tpu.memory_space<semaphore_mem>>) src(%dma_wait3A_28 : memref<10000xi32, #tpu.memory_space<hbm>>) dst(%arg6 : memref<10000xi32, #tpu.memory_space<vmem>>)
      tpu.yield
    }) : () -> ()
    "tpu.region"() ({
      %run_scoped3A = tpu.sem_alloc : memref<!tpu.dma_semaphore, #tpu.memory_space<semaphore_mem>>
      tpu.enqueue_dma source(%arg3 : memref<80xi32, #tpu.memory_space<hbm>>) target(%arg8 : memref<80xi32, #tpu.memory_space<vmem>>) target_semaphore(%run_scoped3A : memref<!tpu.dma_semaphore, #tpu.memory_space<semaphore_mem>>)
      tpu.wait_dma2 semaphore(%run_scoped3A : memref<!tpu.dma_semaphore, #tpu.memory_space<semaphore_mem>>) src(%arg3 : memref<80xi32, #tpu.memory_space<hbm>>) dst(%arg8 : memref<80xi32, #tpu.memory_space<vmem>>)
      tpu.yield
    }) : () -> ()
    %mul3A_3 = arith.constant 5 : i32
    %mul3A_4 = arith.muli %arg1, %mul3A_3 : i32
    "tpu.region"() ({
      %run_scoped3A = tpu.sem_alloc : memref<!tpu.dma_semaphore, #tpu.memory_space<semaphore_mem>>
      %dma_start3A = arith.constant 0 : i32
      %dma_start3A_27 = tpu.memref_slice %arg9[%mul3A_4, %dma_start3A] : memref<80x128xf32, #tpu.memory_space<vmem_shared>> -> memref<5x128xf32, #tpu.memory_space<vmem_shared>>
      tpu.enqueue_dma source(%arg4 : memref<5x128xf32, #tpu.memory_space<hbm>>) target(%dma_start3A_27 : memref<5x128xf32, #tpu.memory_space<vmem_shared>>) target_semaphore(%run_scoped3A : memref<!tpu.dma_semaphore, #tpu.memory_space<semaphore_mem>>)
      %dma_wait3A = arith.constant 0 : i32
      %dma_wait3A_28 = tpu.memref_slice %arg9[%mul3A_4, %dma_wait3A] : memref<80x128xf32, #tpu.memory_space<vmem_shared>> -> memref<5x128xf32, #tpu.memory_space<vmem_shared>>
      tpu.wait_dma2 semaphore(%run_scoped3A : memref<!tpu.dma_semaphore, #tpu.memory_space<semaphore_mem>>) src(%arg4 : memref<5x128xf32, #tpu.memory_space<hbm>>) dst(%dma_wait3A_28 : memref<5x128xf32, #tpu.memory_space<vmem_shared>>)
      tpu.yield
    }) : () -> ()
    %broadcast_in_dim3A = arith.constant 0.000000e+00 : f32
    %broadcast_in_dim3A_5 = vector.broadcast %broadcast_in_dim3A : f32 to vector<16xf32>
    %scan3A = arith.constant 0 : i32
    %scan3A_6 = arith.constant 0 : i32
    %scan3A_7 = arith.constant 80 : i32
    %scan3A_8 = arith.addi %scan3A_6, %scan3A_7 : i32
    %scan3A_9 = arith.constant 1 : i32
    scf.for %scan3A_27 = %scan3A_6 to %scan3A_8 step %scan3A_9  : i32 {
      %swap3A = arith.index_cast %scan3A_27 : i32 to index
      %swap3A_28 = arith.constant 0 : index
      %swap3A_29 = tpu.vector_load %arg7[%swap3A, %swap3A_28] {strides = array<i32>} : memref<80x128xf32, #tpu.memory_space<vmem>>, vector<16xf32>,
      tpu.vector_store %arg7[%swap3A, %swap3A_28], %broadcast_in_dim3A_5 {strides = array<i32>} : memref<80x128xf32, #tpu.memory_space<vmem>>, vector<16xf32>,
      %swap3A_30 = arith.index_cast %scan3A_27 : i32 to index
      %swap3A_31 = arith.constant 16 : index
      %swap3A_32 = tpu.vector_load %arg7[%swap3A_30, %swap3A_31] {strides = array<i32>} : memref<80x128xf32, #tpu.memory_space<vmem>>, vector<16xf32>,
      tpu.vector_store %arg7[%swap3A_30, %swap3A_31], %broadcast_in_dim3A_5 {strides = array<i32>} : memref<80x128xf32, #tpu.memory_space<vmem>>, vector<16xf32>,
      %swap3A_33 = arith.index_cast %scan3A_27 : i32 to index
      %swap3A_34 = arith.constant 32 : index
      %swap3A_35 = tpu.vector_load %arg7[%swap3A_33, %swap3A_34] {strides = array<i32>} : memref<80x128xf32, #tpu.memory_space<vmem>>, vector<16xf32>,
      tpu.vector_store %arg7[%swap3A_33, %swap3A_34], %broadcast_in_dim3A_5 {strides = array<i32>} : memref<80x128xf32, #tpu.memory_space<vmem>>, vector<16xf32>,
      %swap3A_36 = arith.index_cast %scan3A_27 : i32 to index
      %swap3A_37 = arith.constant 48 : index
      %swap3A_38 = tpu.vector_load %arg7[%swap3A_36, %swap3A_37] {strides = array<i32>} : memref<80x128xf32, #tpu.memory_space<vmem>>, vector<16xf32>,
      tpu.vector_store %arg7[%swap3A_36, %swap3A_37], %broadcast_in_dim3A_5 {strides = array<i32>} : memref<80x128xf32, #tpu.memory_space<vmem>>, vector<16xf32>,
      %swap3A_39 = arith.index_cast %scan3A_27 : i32 to index
      %swap3A_40 = arith.constant 64 : index
      %swap3A_41 = tpu.vector_load %arg7[%swap3A_39, %swap3A_40] {strides = array<i32>} : memref<80x128xf32, #tpu.memory_space<vmem>>, vector<16xf32>,
      tpu.vector_store %arg7[%swap3A_39, %swap3A_40], %broadcast_in_dim3A_5 {strides = array<i32>} : memref<80x128xf32, #tpu.memory_space<vmem>>, vector<16xf32>,
      %swap3A_42 = arith.index_cast %scan3A_27 : i32 to index
      %swap3A_43 = arith.constant 80 : index
      %swap3A_44 = tpu.vector_load %arg7[%swap3A_42, %swap3A_43] {strides = array<i32>} : memref<80x128xf32, #tpu.memory_space<vmem>>, vector<16xf32>,
      tpu.vector_store %arg7[%swap3A_42, %swap3A_43], %broadcast_in_dim3A_5 {strides = array<i32>} : memref<80x128xf32, #tpu.memory_space<vmem>>, vector<16xf32>,
      %swap3A_45 = arith.index_cast %scan3A_27 : i32 to index
      %swap3A_46 = arith.constant 96 : index
      %swap3A_47 = tpu.vector_load %arg7[%swap3A_45, %swap3A_46] {strides = array<i32>} : memref<80x128xf32, #tpu.memory_space<vmem>>, vector<16xf32>,
      tpu.vector_store %arg7[%swap3A_45, %swap3A_46], %broadcast_in_dim3A_5 {strides = array<i32>} : memref<80x128xf32, #tpu.memory_space<vmem>>, vector<16xf32>,
      %swap3A_48 = arith.index_cast %scan3A_27 : i32 to index
      %swap3A_49 = arith.constant 112 : index
      %swap3A_50 = tpu.vector_load %arg7[%swap3A_48, %swap3A_49] {strides = array<i32>} : memref<80x128xf32, #tpu.memory_space<vmem>>, vector<16xf32>,
      tpu.vector_store %arg7[%swap3A_48, %swap3A_49], %broadcast_in_dim3A_5 {strides = array<i32>} : memref<80x128xf32, #tpu.memory_space<vmem>>, vector<16xf32>,
    }
    %scan3A_10 = arith.constant 80 : i32
    %barrier3A = arith.constant 0 : index
    tpu.barrier barrier_id(%barrier3A)
    %broadcast_in_dim3A_11 = arith.constant 1.000000e+00 : f32
    %broadcast_in_dim3A_12 = vector.broadcast %broadcast_in_dim3A_11 : f32 to vector<16xf32>
    %scan3A_13 = arith.constant 0 : i32
    %scan3A_14 = arith.constant 0 : i32
    %scan3A_15 = arith.constant 78 : i32
    %scan3A_16 = arith.addi %scan3A_14, %scan3A_15 : i32
    %scan3A_17 = arith.constant 1 : i32
    scf.for %scan3A_27 = %scan3A_14 to %scan3A_16 step %scan3A_17  : i32 {
      %mul3A_28 = arith.constant 128 : i32
      %mul3A_29 = arith.muli %scan3A_27, %mul3A_28 : i32
      %add3A_30 = arith.constant 0 : i32
      %add3A_31 = arith.addi %mul3A_29, %add3A_30 : i32
      %get3A_32 = arith.index_cast %add3A_31 : i32 to index
      %get3A_33 = tpu.vector_load %arg6[%get3A_32] {strides = array<i32>} : memref<10000xi32, #tpu.memory_space<vmem>>, vector<16xi32>,
      %shift_right_arithmetic3A_34 = arith.constant 7 : i32
      %shift_right_arithmetic3A_35 = vector.broadcast %shift_right_arithmetic3A_34 : i32 to vector<16xi32>
      %shift_right_arithmetic3A_36 = arith.shrsi %get3A_33, %shift_right_arithmetic3A_35 : vector<16xi32>
      %and3A_37 = arith.constant 127 : i32
      %and3A_38 = vector.broadcast %and3A_37 : i32 to vector<16xi32>
      %and3A_39 = arith.andi %get3A_33, %and3A_38 : vector<16xi32>
      tpu.vector_store_idx %arg7[%shift_right_arithmetic3A_36, %and3A_39], %broadcast_in_dim3A_12 {add = true} : memref<80x128xf32, #tpu.memory_space<vmem>>[vector<16xi32>, vector<16xi32>], vector<16xf32>,
      %mul3A_40 = arith.constant 128 : i32
      %mul3A_41 = arith.muli %scan3A_27, %mul3A_40 : i32
      %add3A_42 = arith.constant 16 : i32
      %add3A_43 = arith.addi %mul3A_41, %add3A_42 : i32
      %get3A_44 = arith.index_cast %add3A_43 : i32 to index
      %get3A_45 = tpu.vector_load %arg6[%get3A_44] {strides = array<i32>} : memref<10000xi32, #tpu.memory_space<vmem>>, vector<16xi32>,
      %shift_right_arithmetic3A_46 = arith.constant 7 : i32
      %shift_right_arithmetic3A_47 = vector.broadcast %shift_right_arithmetic3A_46 : i32 to vector<16xi32>
      %shift_right_arithmetic3A_48 = arith.shrsi %get3A_45, %shift_right_arithmetic3A_47 : vector<16xi32>
      %and3A_49 = arith.constant 127 : i32
      %and3A_50 = vector.broadcast %and3A_49 : i32 to vector<16xi32>
      %and3A_51 = arith.andi %get3A_45, %and3A_50 : vector<16xi32>
      tpu.vector_store_idx %arg7[%shift_right_arithmetic3A_48, %and3A_51], %broadcast_in_dim3A_12 {add = true} : memref<80x128xf32, #tpu.memory_space<vmem>>[vector<16xi32>, vector<16xi32>], vector<16xf32>,
      %mul3A_52 = arith.constant 128 : i32
      %mul3A_53 = arith.muli %scan3A_27, %mul3A_52 : i32
      %add3A_54 = arith.constant 32 : i32
      %add3A_55 = arith.addi %mul3A_53, %add3A_54 : i32
      %get3A_56 = arith.index_cast %add3A_55 : i32 to index
      %get3A_57 = tpu.vector_load %arg6[%get3A_56] {strides = array<i32>} : memref<10000xi32, #tpu.memory_space<vmem>>, vector<16xi32>,
      %shift_right_arithmetic3A_58 = arith.constant 7 : i32
      %shift_right_arithmetic3A_59 = vector.broadcast %shift_right_arithmetic3A_58 : i32 to vector<16xi32>
      %shift_right_arithmetic3A_60 = arith.shrsi %get3A_57, %shift_right_arithmetic3A_59 : vector<16xi32>
      %and3A_61 = arith.constant 127 : i32
      %and3A_62 = vector.broadcast %and3A_61 : i32 to vector<16xi32>
      %and3A_63 = arith.andi %get3A_57, %and3A_62 : vector<16xi32>
      tpu.vector_store_idx %arg7[%shift_right_arithmetic3A_60, %and3A_63], %broadcast_in_dim3A_12 {add = true} : memref<80x128xf32, #tpu.memory_space<vmem>>[vector<16xi32>, vector<16xi32>], vector<16xf32>,
      %mul3A_64 = arith.constant 128 : i32
      %mul3A_65 = arith.muli %scan3A_27, %mul3A_64 : i32
      %add3A_66 = arith.constant 48 : i32
      %add3A_67 = arith.addi %mul3A_65, %add3A_66 : i32
      %get3A_68 = arith.index_cast %add3A_67 : i32 to index
      %get3A_69 = tpu.vector_load %arg6[%get3A_68] {strides = array<i32>} : memref<10000xi32, #tpu.memory_space<vmem>>, vector<16xi32>,
      %shift_right_arithmetic3A_70 = arith.constant 7 : i32
      %shift_right_arithmetic3A_71 = vector.broadcast %shift_right_arithmetic3A_70 : i32 to vector<16xi32>
      %shift_right_arithmetic3A_72 = arith.shrsi %get3A_69, %shift_right_arithmetic3A_71 : vector<16xi32>
      %and3A_73 = arith.constant 127 : i32
      %and3A_74 = vector.broadcast %and3A_73 : i32 to vector<16xi32>
      %and3A_75 = arith.andi %get3A_69, %and3A_74 : vector<16xi32>
      tpu.vector_store_idx %arg7[%shift_right_arithmetic3A_72, %and3A_75], %broadcast_in_dim3A_12 {add = true} : memref<80x128xf32, #tpu.memory_space<vmem>>[vector<16xi32>, vector<16xi32>], vector<16xf32>,
      %mul3A_76 = arith.constant 128 : i32
      %mul3A_77 = arith.muli %scan3A_27, %mul3A_76 : i32
      %add3A_78 = arith.constant 64 : i32
      %add3A_79 = arith.addi %mul3A_77, %add3A_78 : i32
      %get3A_80 = arith.index_cast %add3A_79 : i32 to index
      %get3A_81 = tpu.vector_load %arg6[%get3A_80] {strides = array<i32>} : memref<10000xi32, #tpu.memory_space<vmem>>, vector<16xi32>,
      %shift_right_arithmetic3A_82 = arith.constant 7 : i32
      %shift_right_arithmetic3A_83 = vector.broadcast %shift_right_arithmetic3A_82 : i32 to vector<16xi32>
      %shift_right_arithmetic3A_84 = arith.shrsi %get3A_81, %shift_right_arithmetic3A_83 : vector<16xi32>
      %and3A_85 = arith.constant 127 : i32
      %and3A_86 = vector.broadcast %and3A_85 : i32 to vector<16xi32>
      %and3A_87 = arith.andi %get3A_81, %and3A_86 : vector<16xi32>
      tpu.vector_store_idx %arg7[%shift_right_arithmetic3A_84, %and3A_87], %broadcast_in_dim3A_12 {add = true} : memref<80x128xf32, #tpu.memory_space<vmem>>[vector<16xi32>, vector<16xi32>], vector<16xf32>,
      %mul3A_88 = arith.constant 128 : i32
      %mul3A_89 = arith.muli %scan3A_27, %mul3A_88 : i32
      %add3A_90 = arith.constant 80 : i32
      %add3A_91 = arith.addi %mul3A_89, %add3A_90 : i32
      %get3A_92 = arith.index_cast %add3A_91 : i32 to index
      %get3A_93 = tpu.vector_load %arg6[%get3A_92] {strides = array<i32>} : memref<10000xi32, #tpu.memory_space<vmem>>, vector<16xi32>,
      %shift_right_arithmetic3A_94 = arith.constant 7 : i32
      %shift_right_arithmetic3A_95 = vector.broadcast %shift_right_arithmetic3A_94 : i32 to vector<16xi32>
      %shift_right_arithmetic3A_96 = arith.shrsi %get3A_93, %shift_right_arithmetic3A_95 : vector<16xi32>
      %and3A_97 = arith.constant 127 : i32
      %and3A_98 = vector.broadcast %and3A_97 : i32 to vector<16xi32>
      %and3A_99 = arith.andi %get3A_93, %and3A_98 : vector<16xi32>
      tpu.vector_store_idx %arg7[%shift_right_arithmetic3A_96, %and3A_99], %broadcast_in_dim3A_12 {add = true} : memref<80x128xf32, #tpu.memory_space<vmem>>[vector<16xi32>, vector<16xi32>], vector<16xf32>,
      %mul3A_100 = arith.constant 128 : i32
      %mul3A_101 = arith.muli %scan3A_27, %mul3A_100 : i32
      %add3A_102 = arith.constant 96 : i32
      %add3A_103 = arith.addi %mul3A_101, %add3A_102 : i32
      %get3A_104 = arith.index_cast %add3A_103 : i32 to index
      %get3A_105 = tpu.vector_load %arg6[%get3A_104] {strides = array<i32>} : memref<10000xi32, #tpu.memory_space<vmem>>, vector<16xi32>,
      %shift_right_arithmetic3A_106 = arith.constant 7 : i32
      %shift_right_arithmetic3A_107 = vector.broadcast %shift_right_arithmetic3A_106 : i32 to vector<16xi32>
      %shift_right_arithmetic3A_108 = arith.shrsi %get3A_105, %shift_right_arithmetic3A_107 : vector<16xi32>
      %and3A_109 = arith.constant 127 : i32
      %and3A_110 = vector.broadcast %and3A_109 : i32 to vector<16xi32>
      %and3A_111 = arith.andi %get3A_105, %and3A_110 : vector<16xi32>
      tpu.vector_store_idx %arg7[%shift_right_arithmetic3A_108, %and3A_111], %broadcast_in_dim3A_12 {add = true} : memref<80x128xf32, #tpu.memory_space<vmem>>[vector<16xi32>, vector<16xi32>], vector<16xf32>,
      %mul3A_112 = arith.constant 128 : i32
      %mul3A_113 = arith.muli %scan3A_27, %mul3A_112 : i32
      %add3A_114 = arith.constant 112 : i32
      %add3A_115 = arith.addi %mul3A_113, %add3A_114 : i32
      %get3A_116 = arith.index_cast %add3A_115 : i32 to index
      %get3A_117 = tpu.vector_load %arg6[%get3A_116] {strides = array<i32>} : memref<10000xi32, #tpu.memory_space<vmem>>, vector<16xi32>,
      %shift_right_arithmetic3A_118 = arith.constant 7 : i32
      %shift_right_arithmetic3A_119 = vector.broadcast %shift_right_arithmetic3A_118 : i32 to vector<16xi32>
      %shift_right_arithmetic3A_120 = arith.shrsi %get3A_117, %shift_right_arithmetic3A_119 : vector<16xi32>
      %and3A_121 = arith.constant 127 : i32
      %and3A_122 = vector.broadcast %and3A_121 : i32 to vector<16xi32>
      %and3A_123 = arith.andi %get3A_117, %and3A_122 : vector<16xi32>
      tpu.vector_store_idx %arg7[%shift_right_arithmetic3A_120, %and3A_123], %broadcast_in_dim3A_12 {add = true} : memref<80x128xf32, #tpu.memory_space<vmem>>[vector<16xi32>, vector<16xi32>], vector<16xf32>,
    }
    %scan3A_18 = arith.constant 78 : i32
    %get3A = arith.constant 9984 : index
    %get3A_19 = tpu.vector_load %arg6[%get3A] {strides = array<i32>} : memref<10000xi32, #tpu.memory_space<vmem>>, vector<16xi32>,
    %shift_right_arithmetic3A = arith.constant 7 : i32
    %shift_right_arithmetic3A_20 = vector.broadcast %shift_right_arithmetic3A : i32 to vector<16xi32>
    %shift_right_arithmetic3A_21 = arith.shrsi %get3A_19, %shift_right_arithmetic3A_20 : vector<16xi32>
    %and3A = arith.constant 127 : i32
    %and3A_22 = vector.broadcast %and3A : i32 to vector<16xi32>
    %and3A_23 = arith.andi %get3A_19, %and3A_22 : vector<16xi32>
    tpu.vector_store_idx %arg7[%shift_right_arithmetic3A_21, %and3A_23], %broadcast_in_dim3A_12 {add = true} : memref<80x128xf32, #tpu.memory_space<vmem>>[vector<16xi32>, vector<16xi32>], vector<16xf32>,
    "tpu.region"() ({
      %run_scoped3A = tpu.sem_alloc : memref<!tpu.dma_semaphore, #tpu.memory_space<semaphore_mem>>
      %dma_start3A = arith.constant 0 : i32
      %dma_start3A_27 = arith.constant 0 : i32
      %dma_start3A_28 = tpu.memref_slice %arg9[%dma_start3A, %dma_start3A_27] : memref<80x128xf32, #tpu.memory_space<vmem_shared>> -> memref<80x128xf32, #tpu.memory_space<vmem_shared>>
      tpu.enqueue_indirect_dma source(%arg7 : memref<80x128xf32, #tpu.memory_space<vmem>>) target(%dma_start3A_28 : memref<80x128xf32, #tpu.memory_space<vmem_shared>>) offsets(%arg8 : memref<80xi32, #tpu.memory_space<vmem>>) semaphore(%run_scoped3A : memref<!tpu.dma_semaphore, #tpu.memory_space<semaphore_mem>>) {add = true}
      %dma_wait3A = arith.constant 0 : i32
      %dma_wait3A_29 = arith.constant 0 : i32
      %dma_wait3A_30 = tpu.memref_slice %arg9[%dma_wait3A, %dma_wait3A_29] : memref<80x128xf32, #tpu.memory_space<vmem_shared>> -> memref<80x128xf32, #tpu.memory_space<vmem_shared>>
      tpu.wait_indirect_dma semaphore(%run_scoped3A : memref<!tpu.dma_semaphore, #tpu.memory_space<semaphore_mem>>) src(%arg7 : memref<80x128xf32, #tpu.memory_space<vmem>>) dst(%dma_wait3A_30 : memref<80x128xf32, #tpu.memory_space<vmem_shared>>)
      tpu.yield
    }) : () -> ()
    %barrier3A_24 = arith.constant 0 : index
    tpu.barrier barrier_id(%barrier3A_24)
    %lt3A = arith.constant 10 : i32
    %lt3A_25 = arith.cmpi slt, %arg1, %lt3A : i32
    %convert_element_type3A = arith.extui %lt3A_25 : i1 to i32
    %cond3A = arith.constant 0 : i32
    %cond3A_26 = arith.cmpi ne, %convert_element_type3A, %cond3A : i32
    scf.if %cond3A_26 {
      %mul3A_27 = arith.constant 8 : i32
      %mul3A_28 = arith.muli %arg1, %mul3A_27 : i32
      %mul3A_29 = arith.constant 8 : i32
      %mul3A_30 = arith.muli %arg1, %mul3A_29 : i32
      "tpu.region"() ({
        %run_scoped3A = tpu.sem_alloc : memref<!tpu.dma_semaphore, #tpu.memory_space<semaphore_mem>>
        %dma_start3A = arith.constant 0 : i32
        %dma_start3A_31 = tpu.memref_slice %arg5[%arg0, %mul3A_30, %dma_start3A] : memref<2x80x128xf32, #tpu.memory_space<hbm>> -> memref<1x8x128xf32, #tpu.memory_space<hbm>>
        %dma_start3A_32 = tpu.memref_squeeze %dma_start3A_31 : memref<1x8x128xf32, #tpu.memory_space<hbm>> -> memref<8x128xf32, #tpu.memory_space<hbm>>
        %dma_start3A_33 = arith.constant 0 : i32
        %dma_start3A_34 = tpu.memref_slice %arg9[%mul3A_28, %dma_start3A_33] : memref<80x128xf32, #tpu.memory_space<vmem_shared>> -> memref<8x128xf32, #tpu.memory_space<vmem_shared>>
        tpu.enqueue_dma source(%dma_start3A_34 : memref<8x128xf32, #tpu.memory_space<vmem_shared>>) target(%dma_start3A_32 : memref<8x128xf32, #tpu.memory_space<hbm>>) target_semaphore(%run_scoped3A : memref<!tpu.dma_semaphore, #tpu.memory_space<semaphore_mem>>)
        %dma_wait3A = arith.constant 0 : i32
        %dma_wait3A_35 = tpu.memref_slice %arg5[%arg0, %mul3A_30, %dma_wait3A] : memref<2x80x128xf32, #tpu.memory_space<hbm>> -> memref<1x8x128xf32, #tpu.memory_space<hbm>>
        %dma_wait3A_36 = tpu.memref_squeeze %dma_wait3A_35 : memref<1x8x128xf32, #tpu.memory_space<hbm>> -> memref<8x128xf32, #tpu.memory_space<hbm>>
        %dma_wait3A_37 = arith.constant 0 : i32
        %dma_wait3A_38 = tpu.memref_slice %arg9[%mul3A_28, %dma_wait3A_37] : memref<80x128xf32, #tpu.memory_space<vmem_shared>> -> memref<8x128xf32, #tpu.memory_space<vmem_shared>>
        tpu.wait_dma2 semaphore(%run_scoped3A : memref<!tpu.dma_semaphore, #tpu.memory_space<semaphore_mem>>) src(%dma_wait3A_38 : memref<8x128xf32, #tpu.memory_space<vmem_shared>>) dst(%dma_wait3A_36 : memref<8x128xf32, #tpu.memory_space<hbm>>)
        tpu.yield
      }) : () -> ()
    } else {
    }
    return
  }
}

#map = affine_map<(d0, d1) -> (0)>
#map1 = affine_map<(d0, d1) -> (0, 0)>
#map2 = affine_map<(d0, d1) -> (0, 0, 0)>
module attributes {stable_mosaic.version = 14 : i64} {
  func.func @_scatter_kernel(%arg0: i32, %arg1: i32, %arg2: memref<320000xi32, #tpu.memory_space<hbm>>, %arg3: memref<320000xi32, #tpu.memory_space<hbm>>, %arg4: memref<10000x128xf32, #tpu.memory_space<hbm>>, %arg5: memref<632x128xf32, #tpu.memory_space<hbm>>, %arg6: memref<2x10112x128xf32, #tpu.memory_space<hbm>>, %arg7: memref<10000xi32, #tpu.memory_space<vmem>>, %arg8: memref<80xi32, #tpu.memory_space<vmem>>, %arg9: memref<80x128xf32, #tpu.memory_space<vmem>>, %arg10: memref<80x128xf32, #tpu.memory_space<vmem>>, %arg11: memref<80x128xf32, #tpu.memory_space<vmem>>, %arg12: memref<!tpu.dma_semaphore, #tpu.memory_space<semaphore_mem>>, %arg13: memref<!tpu.dma_semaphore, #tpu.memory_space<semaphore_mem>>, %arg14: memref<!tpu.dma_semaphore, #tpu.memory_space<semaphore_mem>>, %arg15: memref<10112x128xf32, #tpu.memory_space<vmem_shared>>) attributes {dimension_semantics = [#tpu.dimension_semantics<core_parallel>, #tpu.dimension_semantics<subcore_parallel>], iteration_bounds = array<i64: 2, 16>, scalar_prefetch = 0 : i64, scratch_operands = 9 : i64, tpu.core_type = #tpu.core_type<sc_vector_subcore>, window_params = [{transform_indices = #map}, {transform_indices = #map}, {transform_indices = #map1}, {transform_indices = #map1}, {transform_indices = #map2}]} {
    %mul3A = arith.constant 2 : i32
    %mul3A_0 = arith.muli %arg1, %mul3A : i32
    %add3A = arith.addi %mul3A_0, %arg0 : i32
    %mul3A_1 = arith.constant 10000 : i32
    %mul3A_2 = arith.muli %add3A, %mul3A_1 : i32
    "tpu.region"() ({
      %run_scoped3A = tpu.sem_alloc : memref<!tpu.dma_semaphore, #tpu.memory_space<semaphore_mem>>
      %dma_start3A_37 = tpu.memref_slice %arg2[%mul3A_2] : memref<320000xi32, #tpu.memory_space<hbm>> -> memref<10000xi32, #tpu.memory_space<hbm>>
      %dma_start3A_38 = tpu.memref_slice %arg2[%mul3A_2] : memref<320000xi32, #tpu.memory_space<hbm>> -> memref<10000xi32, #tpu.memory_space<hbm>>
      tpu.enqueue_dma source(%dma_start3A_38 : memref<10000xi32, #tpu.memory_space<hbm>>) target(%arg7 : memref<10000xi32, #tpu.memory_space<vmem>>) target_semaphore(%run_scoped3A : memref<!tpu.dma_semaphore, #tpu.memory_space<semaphore_mem>>)
      %dma_wait3A_39 = tpu.memref_slice %arg2[%mul3A_2] : memref<320000xi32, #tpu.memory_space<hbm>> -> memref<10000xi32, #tpu.memory_space<hbm>>
      %dma_wait3A_40 = tpu.memref_slice %arg2[%mul3A_2] : memref<320000xi32, #tpu.memory_space<hbm>> -> memref<10000xi32, #tpu.memory_space<hbm>>
      tpu.wait_dma2 semaphore(%run_scoped3A : memref<!tpu.dma_semaphore, #tpu.memory_space<semaphore_mem>>) src(%dma_wait3A_40 : memref<10000xi32, #tpu.memory_space<hbm>>) dst(%arg7 : memref<10000xi32, #tpu.memory_space<vmem>>)
      tpu.yield
    }) : () -> ()
    %mul3A_3 = arith.constant 632 : i32
    %mul3A_4 = arith.muli %arg1, %mul3A_3 : i32
    "tpu.region"() ({
      %run_scoped3A = tpu.sem_alloc : memref<!tpu.dma_semaphore, #tpu.memory_space<semaphore_mem>>
      %dma_start3A_37 = arith.constant 0 : i32
      %dma_start3A_38 = tpu.memref_slice %arg15[%mul3A_4, %dma_start3A_37] : memref<10112x128xf32, #tpu.memory_space<vmem_shared>> -> memref<632x128xf32, #tpu.memory_space<vmem_shared>>
      tpu.enqueue_dma source(%arg5 : memref<632x128xf32, #tpu.memory_space<hbm>>) target(%dma_start3A_38 : memref<632x128xf32, #tpu.memory_space<vmem_shared>>) target_semaphore(%run_scoped3A : memref<!tpu.dma_semaphore, #tpu.memory_space<semaphore_mem>>)
      %dma_wait3A_39 = arith.constant 0 : i32
      %dma_wait3A_40 = tpu.memref_slice %arg15[%mul3A_4, %dma_wait3A_39] : memref<10112x128xf32, #tpu.memory_space<vmem_shared>> -> memref<632x128xf32, #tpu.memory_space<vmem_shared>>
      tpu.wait_dma2 semaphore(%run_scoped3A : memref<!tpu.dma_semaphore, #tpu.memory_space<semaphore_mem>>) src(%arg5 : memref<632x128xf32, #tpu.memory_space<hbm>>) dst(%dma_wait3A_40 : memref<632x128xf32, #tpu.memory_space<vmem_shared>>)
      tpu.yield
    }) : () -> ()
    %barrier3A = arith.constant 0 : index
    tpu.barrier barrier_id(%barrier3A)
    %dma_start3A = arith.constant 0 : i32
    %dma_start3A_5 = tpu.memref_slice %arg7[%dma_start3A] : memref<10000xi32, #tpu.memory_space<vmem>> -> memref<80xi32, #tpu.memory_space<vmem>>
    %dma_start3A_6 = arith.constant 0 : i32
    %dma_start3A_7 = arith.constant 0 : i32
    %dma_start3A_8 = tpu.memref_slice %arg4[%dma_start3A_6, %dma_start3A_7] : memref<10000x128xf32, #tpu.memory_space<hbm>> -> memref<10000x128xf32, #tpu.memory_space<hbm>>
    tpu.enqueue_indirect_dma source(%dma_start3A_8 : memref<10000x128xf32, #tpu.memory_space<hbm>>) target(%arg9 : memref<80x128xf32, #tpu.memory_space<vmem>>) offsets(%dma_start3A_5 : memref<80xi32, #tpu.memory_space<vmem>>) semaphore(%arg12 : memref<!tpu.dma_semaphore, #tpu.memory_space<semaphore_mem>>)
    %dma_start3A_9 = arith.constant 80 : i32
    %dma_start3A_10 = tpu.memref_slice %arg7[%dma_start3A_9] : memref<10000xi32, #tpu.memory_space<vmem>> -> memref<80xi32, #tpu.memory_space<vmem>>
    %dma_start3A_11 = arith.constant 0 : i32
    %dma_start3A_12 = arith.constant 0 : i32
    %dma_start3A_13 = tpu.memref_slice %arg4[%dma_start3A_11, %dma_start3A_12] : memref<10000x128xf32, #tpu.memory_space<hbm>> -> memref<10000x128xf32, #tpu.memory_space<hbm>>
    tpu.enqueue_indirect_dma source(%dma_start3A_13 : memref<10000x128xf32, #tpu.memory_space<hbm>>) target(%arg10 : memref<80x128xf32, #tpu.memory_space<vmem>>) offsets(%dma_start3A_10 : memref<80xi32, #tpu.memory_space<vmem>>) semaphore(%arg13 : memref<!tpu.dma_semaphore, #tpu.memory_space<semaphore_mem>>)
    %scan3A = arith.constant 0 : i32
    %scan3A_14 = arith.constant 0 : i32
    %scan3A_15 = arith.constant 41 : i32
    %scan3A_16 = arith.addi %scan3A_14, %scan3A_15 : i32
    %scan3A_17 = arith.constant 1 : i32
    scf.for %scan3A_37 = %scan3A_14 to %scan3A_16 step %scan3A_17  : i32 {
      %mul3A_38 = arith.constant 3 : i32
      %mul3A_39 = arith.muli %scan3A_37, %mul3A_38 : i32
      %add3A_40 = arith.constant 0 : i32
      %add3A_41 = arith.addi %mul3A_39, %add3A_40 : i32
      %mul3A_42 = arith.constant 80 : i32
      %mul3A_43 = arith.muli %add3A_41, %mul3A_42 : i32
      %dma_wait3A_44 = tpu.memref_slice %arg7[%mul3A_43] : memref<10000xi32, #tpu.memory_space<vmem>> -> memref<80xi32, #tpu.memory_space<vmem>>
      %dma_wait3A_45 = arith.constant 0 : i32
      %dma_wait3A_46 = arith.constant 0 : i32
      %dma_wait3A_47 = tpu.memref_slice %arg4[%dma_wait3A_45, %dma_wait3A_46] : memref<10000x128xf32, #tpu.memory_space<hbm>> -> memref<10000x128xf32, #tpu.memory_space<hbm>>
      tpu.wait_indirect_dma semaphore(%arg12 : memref<!tpu.dma_semaphore, #tpu.memory_space<semaphore_mem>>) src(%dma_wait3A_47 : memref<10000x128xf32, #tpu.memory_space<hbm>>) dst(%arg9 : memref<80x128xf32, #tpu.memory_space<vmem>>)
      %add3A_48 = arith.constant 2 : i32
      %add3A_49 = arith.addi %add3A_41, %add3A_48 : i32
      %mul3A_50 = arith.constant 80 : i32
      %mul3A_51 = arith.muli %add3A_49, %mul3A_50 : i32
      %dma_start3A_52 = tpu.memref_slice %arg7[%mul3A_51] : memref<10000xi32, #tpu.memory_space<vmem>> -> memref<80xi32, #tpu.memory_space<vmem>>
      %dma_start3A_53 = arith.constant 0 : i32
      %dma_start3A_54 = arith.constant 0 : i32
      %dma_start3A_55 = tpu.memref_slice %arg4[%dma_start3A_53, %dma_start3A_54] : memref<10000x128xf32, #tpu.memory_space<hbm>> -> memref<10000x128xf32, #tpu.memory_space<hbm>>
      tpu.enqueue_indirect_dma source(%dma_start3A_55 : memref<10000x128xf32, #tpu.memory_space<hbm>>) target(%arg11 : memref<80x128xf32, #tpu.memory_space<vmem>>) offsets(%dma_start3A_52 : memref<80xi32, #tpu.memory_space<vmem>>) semaphore(%arg14 : memref<!tpu.dma_semaphore, #tpu.memory_space<semaphore_mem>>)
      %mul3A_56 = arith.constant 80 : i32
      %mul3A_57 = arith.muli %add3A_41, %mul3A_56 : i32
      %add3A_58 = arith.addi %mul3A_2, %mul3A_57 : i32
      "tpu.region"() ({
        %run_scoped3A = tpu.sem_alloc : memref<!tpu.dma_semaphore, #tpu.memory_space<semaphore_mem>>
        %dma_start3A_101 = tpu.memref_slice %arg3[%add3A_58] : memref<320000xi32, #tpu.memory_space<hbm>> -> memref<80xi32, #tpu.memory_space<hbm>>
        %dma_start3A_102 = tpu.memref_slice %arg3[%add3A_58] : memref<320000xi32, #tpu.memory_space<hbm>> -> memref<80xi32, #tpu.memory_space<hbm>>
        tpu.enqueue_dma source(%dma_start3A_102 : memref<80xi32, #tpu.memory_space<hbm>>) target(%arg8 : memref<80xi32, #tpu.memory_space<vmem>>) target_semaphore(%run_scoped3A : memref<!tpu.dma_semaphore, #tpu.memory_space<semaphore_mem>>)
        %dma_wait3A_103 = tpu.memref_slice %arg3[%add3A_58] : memref<320000xi32, #tpu.memory_space<hbm>> -> memref<80xi32, #tpu.memory_space<hbm>>
        %dma_wait3A_104 = tpu.memref_slice %arg3[%add3A_58] : memref<320000xi32, #tpu.memory_space<hbm>> -> memref<80xi32, #tpu.memory_space<hbm>>
        tpu.wait_dma2 semaphore(%run_scoped3A : memref<!tpu.dma_semaphore, #tpu.memory_space<semaphore_mem>>) src(%dma_wait3A_104 : memref<80xi32, #tpu.memory_space<hbm>>) dst(%arg8 : memref<80xi32, #tpu.memory_space<vmem>>)
        tpu.yield
      }) : () -> ()
      "tpu.region"() ({
        %run_scoped3A = tpu.sem_alloc : memref<!tpu.dma_semaphore, #tpu.memory_space<semaphore_mem>>
        %dma_start3A_101 = arith.constant 0 : i32
        %dma_start3A_102 = arith.constant 0 : i32
        %dma_start3A_103 = tpu.memref_slice %arg15[%dma_start3A_101, %dma_start3A_102] : memref<10112x128xf32, #tpu.memory_space<vmem_shared>> -> memref<10112x128xf32, #tpu.memory_space<vmem_shared>>
        tpu.enqueue_indirect_dma source(%arg9 : memref<80x128xf32, #tpu.memory_space<vmem>>) target(%dma_start3A_103 : memref<10112x128xf32, #tpu.memory_space<vmem_shared>>) offsets(%arg8 : memref<80xi32, #tpu.memory_space<vmem>>) semaphore(%run_scoped3A : memref<!tpu.dma_semaphore, #tpu.memory_space<semaphore_mem>>) {add = true}
        %dma_wait3A_104 = arith.constant 0 : i32
        %dma_wait3A_105 = arith.constant 0 : i32
        %dma_wait3A_106 = tpu.memref_slice %arg15[%dma_wait3A_104, %dma_wait3A_105] : memref<10112x128xf32, #tpu.memory_space<vmem_shared>> -> memref<10112x128xf32, #tpu.memory_space<vmem_shared>>
        tpu.wait_indirect_dma semaphore(%run_scoped3A : memref<!tpu.dma_semaphore, #tpu.memory_space<semaphore_mem>>) src(%arg9 : memref<80x128xf32, #tpu.memory_space<vmem>>) dst(%dma_wait3A_106 : memref<10112x128xf32, #tpu.memory_space<vmem_shared>>)
        tpu.yield
      }) : () -> ()
      %mul3A_59 = arith.constant 3 : i32
      %mul3A_60 = arith.muli %scan3A_37, %mul3A_59 : i32
      %add3A_61 = arith.constant 1 : i32
      %add3A_62 = arith.addi %mul3A_60, %add3A_61 : i32
      %mul3A_63 = arith.constant 80 : i32
      %mul3A_64 = arith.muli %add3A_62, %mul3A_63 : i32
      %dma_wait3A_65 = tpu.memref_slice %arg7[%mul3A_64] : memref<10000xi32, #tpu.memory_space<vmem>> -> memref<80xi32, #tpu.memory_space<vmem>>
      %dma_wait3A_66 = arith.constant 0 : i32
      %dma_wait3A_67 = arith.constant 0 : i32
      %dma_wait3A_68 = tpu.memref_slice %arg4[%dma_wait3A_66, %dma_wait3A_67] : memref<10000x128xf32, #tpu.memory_space<hbm>> -> memref<10000x128xf32, #tpu.memory_space<hbm>>
      tpu.wait_indirect_dma semaphore(%arg13 : memref<!tpu.dma_semaphore, #tpu.memory_space<semaphore_mem>>) src(%dma_wait3A_68 : memref<10000x128xf32, #tpu.memory_space<hbm>>) dst(%arg10 : memref<80x128xf32, #tpu.memory_space<vmem>>)
      %add3A_69 = arith.constant 2 : i32
      %add3A_70 = arith.addi %add3A_62, %add3A_69 : i32
      %mul3A_71 = arith.constant 80 : i32
      %mul3A_72 = arith.muli %add3A_70, %mul3A_71 : i32
      %dma_start3A_73 = tpu.memref_slice %arg7[%mul3A_72] : memref<10000xi32, #tpu.memory_space<vmem>> -> memref<80xi32, #tpu.memory_space<vmem>>
      %dma_start3A_74 = arith.constant 0 : i32
      %dma_start3A_75 = arith.constant 0 : i32
      %dma_start3A_76 = tpu.memref_slice %arg4[%dma_start3A_74, %dma_start3A_75] : memref<10000x128xf32, #tpu.memory_space<hbm>> -> memref<10000x128xf32, #tpu.memory_space<hbm>>
      tpu.enqueue_indirect_dma source(%dma_start3A_76 : memref<10000x128xf32, #tpu.memory_space<hbm>>) target(%arg9 : memref<80x128xf32, #tpu.memory_space<vmem>>) offsets(%dma_start3A_73 : memref<80xi32, #tpu.memory_space<vmem>>) semaphore(%arg12 : memref<!tpu.dma_semaphore, #tpu.memory_space<semaphore_mem>>)
      %mul3A_77 = arith.constant 80 : i32
      %mul3A_78 = arith.muli %add3A_62, %mul3A_77 : i32
      %add3A_79 = arith.addi %mul3A_2, %mul3A_78 : i32
      "tpu.region"() ({
        %run_scoped3A = tpu.sem_alloc : memref<!tpu.dma_semaphore, #tpu.memory_space<semaphore_mem>>
        %dma_start3A_101 = tpu.memref_slice %arg3[%add3A_79] : memref<320000xi32, #tpu.memory_space<hbm>> -> memref<80xi32, #tpu.memory_space<hbm>>
        %dma_start3A_102 = tpu.memref_slice %arg3[%add3A_79] : memref<320000xi32, #tpu.memory_space<hbm>> -> memref<80xi32, #tpu.memory_space<hbm>>
        tpu.enqueue_dma source(%dma_start3A_102 : memref<80xi32, #tpu.memory_space<hbm>>) target(%arg8 : memref<80xi32, #tpu.memory_space<vmem>>) target_semaphore(%run_scoped3A : memref<!tpu.dma_semaphore, #tpu.memory_space<semaphore_mem>>)
        %dma_wait3A_103 = tpu.memref_slice %arg3[%add3A_79] : memref<320000xi32, #tpu.memory_space<hbm>> -> memref<80xi32, #tpu.memory_space<hbm>>
        %dma_wait3A_104 = tpu.memref_slice %arg3[%add3A_79] : memref<320000xi32, #tpu.memory_space<hbm>> -> memref<80xi32, #tpu.memory_space<hbm>>
        tpu.wait_dma2 semaphore(%run_scoped3A : memref<!tpu.dma_semaphore, #tpu.memory_space<semaphore_mem>>) src(%dma_wait3A_104 : memref<80xi32, #tpu.memory_space<hbm>>) dst(%arg8 : memref<80xi32, #tpu.memory_space<vmem>>)
        tpu.yield
      }) : () -> ()
      "tpu.region"() ({
        %run_scoped3A = tpu.sem_alloc : memref<!tpu.dma_semaphore, #tpu.memory_space<semaphore_mem>>
        %dma_start3A_101 = arith.constant 0 : i32
        %dma_start3A_102 = arith.constant 0 : i32
        %dma_start3A_103 = tpu.memref_slice %arg15[%dma_start3A_101, %dma_start3A_102] : memref<10112x128xf32, #tpu.memory_space<vmem_shared>> -> memref<10112x128xf32, #tpu.memory_space<vmem_shared>>
        tpu.enqueue_indirect_dma source(%arg10 : memref<80x128xf32, #tpu.memory_space<vmem>>) target(%dma_start3A_103 : memref<10112x128xf32, #tpu.memory_space<vmem_shared>>) offsets(%arg8 : memref<80xi32, #tpu.memory_space<vmem>>) semaphore(%run_scoped3A : memref<!tpu.dma_semaphore, #tpu.memory_space<semaphore_mem>>) {add = true}
        %dma_wait3A_104 = arith.constant 0 : i32
        %dma_wait3A_105 = arith.constant 0 : i32
        %dma_wait3A_106 = tpu.memref_slice %arg15[%dma_wait3A_104, %dma_wait3A_105] : memref<10112x128xf32, #tpu.memory_space<vmem_shared>> -> memref<10112x128xf32, #tpu.memory_space<vmem_shared>>
        tpu.wait_indirect_dma semaphore(%run_scoped3A : memref<!tpu.dma_semaphore, #tpu.memory_space<semaphore_mem>>) src(%arg10 : memref<80x128xf32, #tpu.memory_space<vmem>>) dst(%dma_wait3A_106 : memref<10112x128xf32, #tpu.memory_space<vmem_shared>>)
        tpu.yield
      }) : () -> ()
      %mul3A_80 = arith.constant 3 : i32
      %mul3A_81 = arith.muli %scan3A_37, %mul3A_80 : i32
      %add3A_82 = arith.constant 2 : i32
      %add3A_83 = arith.addi %mul3A_81, %add3A_82 : i32
      %mul3A_84 = arith.constant 80 : i32
      %mul3A_85 = arith.muli %add3A_83, %mul3A_84 : i32
      %dma_wait3A_86 = tpu.memref_slice %arg7[%mul3A_85] : memref<10000xi32, #tpu.memory_space<vmem>> -> memref<80xi32, #tpu.memory_space<vmem>>
      %dma_wait3A_87 = arith.constant 0 : i32
      %dma_wait3A_88 = arith.constant 0 : i32
      %dma_wait3A_89 = tpu.memref_slice %arg4[%dma_wait3A_87, %dma_wait3A_88] : memref<10000x128xf32, #tpu.memory_space<hbm>> -> memref<10000x128xf32, #tpu.memory_space<hbm>>
      tpu.wait_indirect_dma semaphore(%arg14 : memref<!tpu.dma_semaphore, #tpu.memory_space<semaphore_mem>>) src(%dma_wait3A_89 : memref<10000x128xf32, #tpu.memory_space<hbm>>) dst(%arg11 : memref<80x128xf32, #tpu.memory_space<vmem>>)
      %add3A_90 = arith.constant 2 : i32
      %add3A_91 = arith.addi %add3A_83, %add3A_90 : i32
      %mul3A_92 = arith.constant 80 : i32
      %mul3A_93 = arith.muli %add3A_91, %mul3A_92 : i32
      %dma_start3A_94 = tpu.memref_slice %arg7[%mul3A_93] : memref<10000xi32, #tpu.memory_space<vmem>> -> memref<80xi32, #tpu.memory_space<vmem>>
      %dma_start3A_95 = arith.constant 0 : i32
      %dma_start3A_96 = arith.constant 0 : i32
      %dma_start3A_97 = tpu.memref_slice %arg4[%dma_start3A_95, %dma_start3A_96] : memref<10000x128xf32, #tpu.memory_space<hbm>> -> memref<10000x128xf32, #tpu.memory_space<hbm>>
      tpu.enqueue_indirect_dma source(%dma_start3A_97 : memref<10000x128xf32, #tpu.memory_space<hbm>>) target(%arg10 : memref<80x128xf32, #tpu.memory_space<vmem>>) offsets(%dma_start3A_94 : memref<80xi32, #tpu.memory_space<vmem>>) semaphore(%arg13 : memref<!tpu.dma_semaphore, #tpu.memory_space<semaphore_mem>>)
      %mul3A_98 = arith.constant 80 : i32
      %mul3A_99 = arith.muli %add3A_83, %mul3A_98 : i32
      %add3A_100 = arith.addi %mul3A_2, %mul3A_99 : i32
      "tpu.region"() ({
        %run_scoped3A = tpu.sem_alloc : memref<!tpu.dma_semaphore, #tpu.memory_space<semaphore_mem>>
        %dma_start3A_101 = tpu.memref_slice %arg3[%add3A_100] : memref<320000xi32, #tpu.memory_space<hbm>> -> memref<80xi32, #tpu.memory_space<hbm>>
        %dma_start3A_102 = tpu.memref_slice %arg3[%add3A_100] : memref<320000xi32, #tpu.memory_space<hbm>> -> memref<80xi32, #tpu.memory_space<hbm>>
        tpu.enqueue_dma source(%dma_start3A_102 : memref<80xi32, #tpu.memory_space<hbm>>) target(%arg8 : memref<80xi32, #tpu.memory_space<vmem>>) target_semaphore(%run_scoped3A : memref<!tpu.dma_semaphore, #tpu.memory_space<semaphore_mem>>)
        %dma_wait3A_103 = tpu.memref_slice %arg3[%add3A_100] : memref<320000xi32, #tpu.memory_space<hbm>> -> memref<80xi32, #tpu.memory_space<hbm>>
        %dma_wait3A_104 = tpu.memref_slice %arg3[%add3A_100] : memref<320000xi32, #tpu.memory_space<hbm>> -> memref<80xi32, #tpu.memory_space<hbm>>
        tpu.wait_dma2 semaphore(%run_scoped3A : memref<!tpu.dma_semaphore, #tpu.memory_space<semaphore_mem>>) src(%dma_wait3A_104 : memref<80xi32, #tpu.memory_space<hbm>>) dst(%arg8 : memref<80xi32, #tpu.memory_space<vmem>>)
        tpu.yield
      }) : () -> ()
      "tpu.region"() ({
        %run_scoped3A = tpu.sem_alloc : memref<!tpu.dma_semaphore, #tpu.memory_space<semaphore_mem>>
        %dma_start3A_101 = arith.constant 0 : i32
        %dma_start3A_102 = arith.constant 0 : i32
        %dma_start3A_103 = tpu.memref_slice %arg15[%dma_start3A_101, %dma_start3A_102] : memref<10112x128xf32, #tpu.memory_space<vmem_shared>> -> memref<10112x128xf32, #tpu.memory_space<vmem_shared>>
        tpu.enqueue_indirect_dma source(%arg11 : memref<80x128xf32, #tpu.memory_space<vmem>>) target(%dma_start3A_103 : memref<10112x128xf32, #tpu.memory_space<vmem_shared>>) offsets(%arg8 : memref<80xi32, #tpu.memory_space<vmem>>) semaphore(%run_scoped3A : memref<!tpu.dma_semaphore, #tpu.memory_space<semaphore_mem>>) {add = true}
        %dma_wait3A_104 = arith.constant 0 : i32
        %dma_wait3A_105 = arith.constant 0 : i32
        %dma_wait3A_106 = tpu.memref_slice %arg15[%dma_wait3A_104, %dma_wait3A_105] : memref<10112x128xf32, #tpu.memory_space<vmem_shared>> -> memref<10112x128xf32, #tpu.memory_space<vmem_shared>>
        tpu.wait_indirect_dma semaphore(%run_scoped3A : memref<!tpu.dma_semaphore, #tpu.memory_space<semaphore_mem>>) src(%arg11 : memref<80x128xf32, #tpu.memory_space<vmem>>) dst(%dma_wait3A_106 : memref<10112x128xf32, #tpu.memory_space<vmem_shared>>)
        tpu.yield
      }) : () -> ()
    }
    %scan3A_18 = arith.constant 41 : i32
    %dma_wait3A = arith.constant 9840 : i32
    %dma_wait3A_19 = tpu.memref_slice %arg7[%dma_wait3A] : memref<10000xi32, #tpu.memory_space<vmem>> -> memref<80xi32, #tpu.memory_space<vmem>>
    %dma_wait3A_20 = arith.constant 0 : i32
    %dma_wait3A_21 = arith.constant 0 : i32
    %dma_wait3A_22 = tpu.memref_slice %arg4[%dma_wait3A_20, %dma_wait3A_21] : memref<10000x128xf32, #tpu.memory_space<hbm>> -> memref<10000x128xf32, #tpu.memory_space<hbm>>
    tpu.wait_indirect_dma semaphore(%arg12 : memref<!tpu.dma_semaphore, #tpu.memory_space<semaphore_mem>>) src(%dma_wait3A_22 : memref<10000x128xf32, #tpu.memory_space<hbm>>) dst(%arg9 : memref<80x128xf32, #tpu.memory_space<vmem>>)
    %add3A_23 = arith.constant 9840 : i32
    %add3A_24 = arith.addi %mul3A_2, %add3A_23 : i32
    "tpu.region"() ({
      %run_scoped3A = tpu.sem_alloc : memref<!tpu.dma_semaphore, #tpu.memory_space<semaphore_mem>>
      %dma_start3A_37 = tpu.memref_slice %arg3[%add3A_24] : memref<320000xi32, #tpu.memory_space<hbm>> -> memref<80xi32, #tpu.memory_space<hbm>>
      %dma_start3A_38 = tpu.memref_slice %arg3[%add3A_24] : memref<320000xi32, #tpu.memory_space<hbm>> -> memref<80xi32, #tpu.memory_space<hbm>>
      tpu.enqueue_dma source(%dma_start3A_38 : memref<80xi32, #tpu.memory_space<hbm>>) target(%arg8 : memref<80xi32, #tpu.memory_space<vmem>>) target_semaphore(%run_scoped3A : memref<!tpu.dma_semaphore, #tpu.memory_space<semaphore_mem>>)
      %dma_wait3A_39 = tpu.memref_slice %arg3[%add3A_24] : memref<320000xi32, #tpu.memory_space<hbm>> -> memref<80xi32, #tpu.memory_space<hbm>>
      %dma_wait3A_40 = tpu.memref_slice %arg3[%add3A_24] : memref<320000xi32, #tpu.memory_space<hbm>> -> memref<80xi32, #tpu.memory_space<hbm>>
      tpu.wait_dma2 semaphore(%run_scoped3A : memref<!tpu.dma_semaphore, #tpu.memory_space<semaphore_mem>>) src(%dma_wait3A_40 : memref<80xi32, #tpu.memory_space<hbm>>) dst(%arg8 : memref<80xi32, #tpu.memory_space<vmem>>)
      tpu.yield
    }) : () -> ()
    "tpu.region"() ({
      %run_scoped3A = tpu.sem_alloc : memref<!tpu.dma_semaphore, #tpu.memory_space<semaphore_mem>>
      %dma_start3A_37 = arith.constant 0 : i32
      %dma_start3A_38 = arith.constant 0 : i32
      %dma_start3A_39 = tpu.memref_slice %arg15[%dma_start3A_37, %dma_start3A_38] : memref<10112x128xf32, #tpu.memory_space<vmem_shared>> -> memref<10112x128xf32, #tpu.memory_space<vmem_shared>>
      tpu.enqueue_indirect_dma source(%arg9 : memref<80x128xf32, #tpu.memory_space<vmem>>) target(%dma_start3A_39 : memref<10112x128xf32, #tpu.memory_space<vmem_shared>>) offsets(%arg8 : memref<80xi32, #tpu.memory_space<vmem>>) semaphore(%run_scoped3A : memref<!tpu.dma_semaphore, #tpu.memory_space<semaphore_mem>>) {add = true}
      %dma_wait3A_40 = arith.constant 0 : i32
      %dma_wait3A_41 = arith.constant 0 : i32
      %dma_wait3A_42 = tpu.memref_slice %arg15[%dma_wait3A_40, %dma_wait3A_41] : memref<10112x128xf32, #tpu.memory_space<vmem_shared>> -> memref<10112x128xf32, #tpu.memory_space<vmem_shared>>
      tpu.wait_indirect_dma semaphore(%run_scoped3A : memref<!tpu.dma_semaphore, #tpu.memory_space<semaphore_mem>>) src(%arg9 : memref<80x128xf32, #tpu.memory_space<vmem>>) dst(%dma_wait3A_42 : memref<10112x128xf32, #tpu.memory_space<vmem_shared>>)
      tpu.yield
    }) : () -> ()
    %dma_wait3A_25 = arith.constant 9920 : i32
    %dma_wait3A_26 = tpu.memref_slice %arg7[%dma_wait3A_25] : memref<10000xi32, #tpu.memory_space<vmem>> -> memref<80xi32, #tpu.memory_space<vmem>>
    %dma_wait3A_27 = arith.constant 0 : i32
    %dma_wait3A_28 = arith.constant 0 : i32
    %dma_wait3A_29 = tpu.memref_slice %arg4[%dma_wait3A_27, %dma_wait3A_28] : memref<10000x128xf32, #tpu.memory_space<hbm>> -> memref<10000x128xf32, #tpu.memory_space<hbm>>
    tpu.wait_indirect_dma semaphore(%arg13 : memref<!tpu.dma_semaphore, #tpu.memory_space<semaphore_mem>>) src(%dma_wait3A_29 : memref<10000x128xf32, #tpu.memory_space<hbm>>) dst(%arg10 : memref<80x128xf32, #tpu.memory_space<vmem>>)
    %add3A_30 = arith.constant 9920 : i32
    %add3A_31 = arith.addi %mul3A_2, %add3A_30 : i32
    "tpu.region"() ({
      %run_scoped3A = tpu.sem_alloc : memref<!tpu.dma_semaphore, #tpu.memory_space<semaphore_mem>>
      %dma_start3A_37 = tpu.memref_slice %arg3[%add3A_31] : memref<320000xi32, #tpu.memory_space<hbm>> -> memref<80xi32, #tpu.memory_space<hbm>>
      %dma_start3A_38 = tpu.memref_slice %arg3[%add3A_31] : memref<320000xi32, #tpu.memory_space<hbm>> -> memref<80xi32, #tpu.memory_space<hbm>>
      tpu.enqueue_dma source(%dma_start3A_38 : memref<80xi32, #tpu.memory_space<hbm>>) target(%arg8 : memref<80xi32, #tpu.memory_space<vmem>>) target_semaphore(%run_scoped3A : memref<!tpu.dma_semaphore, #tpu.memory_space<semaphore_mem>>)
      %dma_wait3A_39 = tpu.memref_slice %arg3[%add3A_31] : memref<320000xi32, #tpu.memory_space<hbm>> -> memref<80xi32, #tpu.memory_space<hbm>>
      %dma_wait3A_40 = tpu.memref_slice %arg3[%add3A_31] : memref<320000xi32, #tpu.memory_space<hbm>> -> memref<80xi32, #tpu.memory_space<hbm>>
      tpu.wait_dma2 semaphore(%run_scoped3A : memref<!tpu.dma_semaphore, #tpu.memory_space<semaphore_mem>>) src(%dma_wait3A_40 : memref<80xi32, #tpu.memory_space<hbm>>) dst(%arg8 : memref<80xi32, #tpu.memory_space<vmem>>)
      tpu.yield
    }) : () -> ()
    "tpu.region"() ({
      %run_scoped3A = tpu.sem_alloc : memref<!tpu.dma_semaphore, #tpu.memory_space<semaphore_mem>>
      %dma_start3A_37 = arith.constant 0 : i32
      %dma_start3A_38 = arith.constant 0 : i32
      %dma_start3A_39 = tpu.memref_slice %arg15[%dma_start3A_37, %dma_start3A_38] : memref<10112x128xf32, #tpu.memory_space<vmem_shared>> -> memref<10112x128xf32, #tpu.memory_space<vmem_shared>>
      tpu.enqueue_indirect_dma source(%arg10 : memref<80x128xf32, #tpu.memory_space<vmem>>) target(%dma_start3A_39 : memref<10112x128xf32, #tpu.memory_space<vmem_shared>>) offsets(%arg8 : memref<80xi32, #tpu.memory_space<vmem>>) semaphore(%run_scoped3A : memref<!tpu.dma_semaphore, #tpu.memory_space<semaphore_mem>>) {add = true}
      %dma_wait3A_40 = arith.constant 0 : i32
      %dma_wait3A_41 = arith.constant 0 : i32
      %dma_wait3A_42 = tpu.memref_slice %arg15[%dma_wait3A_40, %dma_wait3A_41] : memref<10112x128xf32, #tpu.memory_space<vmem_shared>> -> memref<10112x128xf32, #tpu.memory_space<vmem_shared>>
      tpu.wait_indirect_dma semaphore(%run_scoped3A : memref<!tpu.dma_semaphore, #tpu.memory_space<semaphore_mem>>) src(%arg10 : memref<80x128xf32, #tpu.memory_space<vmem>>) dst(%dma_wait3A_42 : memref<10112x128xf32, #tpu.memory_space<vmem_shared>>)
      tpu.yield
    }) : () -> ()
    %barrier3A_32 = arith.constant 0 : index
    tpu.barrier barrier_id(%barrier3A_32)
    %mul3A_33 = arith.constant 632 : i32
    %mul3A_34 = arith.muli %arg1, %mul3A_33 : i32
    %mul3A_35 = arith.constant 632 : i32
    %mul3A_36 = arith.muli %arg1, %mul3A_35 : i32
    "tpu.region"() ({
      %run_scoped3A = tpu.sem_alloc : memref<!tpu.dma_semaphore, #tpu.memory_space<semaphore_mem>>
      %dma_start3A_37 = arith.constant 0 : i32
      %dma_start3A_38 = tpu.memref_slice %arg6[%arg0, %mul3A_36, %dma_start3A_37] : memref<2x10112x128xf32, #tpu.memory_space<hbm>> -> memref<1x632x128xf32, #tpu.memory_space<hbm>>
      %dma_start3A_39 = tpu.memref_squeeze %dma_start3A_38 : memref<1x632x128xf32, #tpu.memory_space<hbm>> -> memref<632x128xf32, #tpu.memory_space<hbm>>
      %dma_start3A_40 = arith.constant 0 : i32
      %dma_start3A_41 = tpu.memref_slice %arg15[%mul3A_34, %dma_start3A_40] : memref<10112x128xf32, #tpu.memory_space<vmem_shared>> -> memref<632x128xf32, #tpu.memory_space<vmem_shared>>
      tpu.enqueue_dma source(%dma_start3A_41 : memref<632x128xf32, #tpu.memory_space<vmem_shared>>) target(%dma_start3A_39 : memref<632x128xf32, #tpu.memory_space<hbm>>) target_semaphore(%run_scoped3A : memref<!tpu.dma_semaphore, #tpu.memory_space<semaphore_mem>>)
      %dma_wait3A_42 = arith.constant 0 : i32
      %dma_wait3A_43 = tpu.memref_slice %arg6[%arg0, %mul3A_36, %dma_wait3A_42] : memref<2x10112x128xf32, #tpu.memory_space<hbm>> -> memref<1x632x128xf32, #tpu.memory_space<hbm>>
      %dma_wait3A_44 = tpu.memref_squeeze %dma_wait3A_43 : memref<1x632x128xf32, #tpu.memory_space<hbm>> -> memref<632x128xf32, #tpu.memory_space<hbm>>
      %dma_wait3A_45 = arith.constant 0 : i32
      %dma_wait3A_46 = tpu.memref_slice %arg15[%mul3A_34, %dma_wait3A_45] : memref<10112x128xf32, #tpu.memory_space<vmem_shared>> -> memref<632x128xf32, #tpu.memory_space<vmem_shared>>
      tpu.wait_dma2 semaphore(%run_scoped3A : memref<!tpu.dma_semaphore, #tpu.memory_space<semaphore_mem>>) src(%dma_wait3A_46 : memref<632x128xf32, #tpu.memory_space<vmem_shared>>) dst(%dma_wait3A_44 : memref<632x128xf32, #tpu.memory_space<hbm>>)
      tpu.yield
    }) : () -> ()
    return
  }
}

module attributes {stable_mosaic.version = 14 : i64} {
  func.func @_bnmm_body(%arg0: memref<10000x128xf32, #tpu.memory_space<vmem>>, %arg1: memref<1x128xf32, #tpu.memory_space<vmem>>, %arg2: memref<1x128xf32, #tpu.memory_space<vmem>>, %arg3: memref<128x128xf32, #tpu.memory_space<vmem>>, %arg4: memref<10000x1xf32, #tpu.memory_space<vmem>>, %arg5: memref<10000x1xf32, #tpu.memory_space<vmem>>, %arg6: memref<10000x128xf32, #tpu.memory_space<vmem>>) attributes {dimension_semantics = [], scalar_prefetch = 0 : i64, scratch_operands = 0 : i64, tpu.core_type = #tpu.core_type<tc>} {
    %get3A = arith.constant 0 : index
    %get3A_0 = arith.constant 0 : index
    %get3A_1 = vector.load %arg0[%get3A, %get3A_0] : memref<10000x128xf32, #tpu.memory_space<vmem>>, vector<10000x128xf32>
    %reduce_sum3A = arith.constant dense<0.000000e+00> : vector<128xf32>
    %reduce_sum3A_2 = vector.multi_reduction <add>, %get3A_1, %reduce_sum3A [0] : vector<10000x128xf32> to vector<128xf32>
    %broadcast_in_dim3A = vector.shape_cast %reduce_sum3A_2 : vector<128xf32> to vector<1x128xf32>
    %div3A = arith.constant 1.000000e+04 : f32
    %div3A_3 = vector.broadcast %div3A : f32 to vector<1x128xf32>
    %div3A_4 = arith.divf %broadcast_in_dim3A, %div3A_3 : vector<1x128xf32>
    %sub3A = vector.broadcast %div3A_4 : vector<1x128xf32> to vector<10000x128xf32>
    %sub3A_5 = arith.subf %get3A_1, %sub3A : vector<10000x128xf32>
    %mul3A = arith.mulf %sub3A_5, %sub3A_5 : vector<10000x128xf32>
    %reduce_sum3A_6 = arith.constant dense<0.000000e+00> : vector<128xf32>
    %reduce_sum3A_7 = vector.multi_reduction <add>, %mul3A, %reduce_sum3A_6 [0] : vector<10000x128xf32> to vector<128xf32>
    %broadcast_in_dim3A_8 = vector.shape_cast %reduce_sum3A_7 : vector<128xf32> to vector<1x128xf32>
    %div3A_9 = arith.constant 1.000000e+04 : f32
    %div3A_10 = vector.broadcast %div3A_9 : f32 to vector<1x128xf32>
    %div3A_11 = arith.divf %broadcast_in_dim3A_8, %div3A_10 : vector<1x128xf32>
    %add3A = arith.constant 9.99999974E-6 : f32
    %add3A_12 = vector.broadcast %add3A : f32 to vector<1x128xf32>
    %add3A_13 = arith.addf %div3A_11, %add3A_12 : vector<1x128xf32>
    %rsqrt3A = math.rsqrt %add3A_13 : vector<1x128xf32>
    %mul3A_14 = vector.broadcast %rsqrt3A : vector<1x128xf32> to vector<10000x128xf32>
    %mul3A_15 = arith.mulf %sub3A_5, %mul3A_14 : vector<10000x128xf32>
    %get3A_16 = arith.constant 0 : index
    %get3A_17 = arith.constant 0 : index
    %get3A_18 = vector.load %arg1[%get3A_16, %get3A_17] : memref<1x128xf32, #tpu.memory_space<vmem>>, vector<1x128xf32>
    %mul3A_19 = vector.broadcast %get3A_18 : vector<1x128xf32> to vector<10000x128xf32>
    %mul3A_20 = arith.mulf %mul3A_15, %mul3A_19 : vector<10000x128xf32>
    %get3A_21 = arith.constant 0 : index
    %get3A_22 = arith.constant 0 : index
    %get3A_23 = vector.load %arg2[%get3A_21, %get3A_22] : memref<1x128xf32, #tpu.memory_space<vmem>>, vector<1x128xf32>
    %add3A_24 = vector.broadcast %get3A_23 : vector<1x128xf32> to vector<10000x128xf32>
    %add3A_25 = arith.addf %mul3A_20, %add3A_24 : vector<10000x128xf32>
    %get3A_26 = arith.constant 0 : index
    %get3A_27 = arith.constant 0 : index
    %get3A_28 = vector.load %arg3[%get3A_26, %get3A_27] : memref<128x128xf32, #tpu.memory_space<vmem>>, vector<128x128xf32>
    %dot_general3A = arith.constant dense<0.000000e+00> : vector<10000x128xf32>
    %dot_general3A_29 = tpu.matmul %add3A_25, %get3A_28, %dot_general3A {dimension_numbers = #tpu.dot_dimension_numbers<[1], [0], [0], [1], [0, 0, 1, 1], [], []>, transpose_lhs_hint = false} : vector<10000x128xf32>, vector<128x128xf32>, vector<10000x128xf32> -> vector<10000x128xf32>
    %get3A_30 = arith.constant 0 : index
    %get3A_31 = arith.constant 0 : index
    %get3A_32 = vector.load %arg4[%get3A_30, %get3A_31] : memref<10000x1xf32, #tpu.memory_space<vmem>>, vector<10000x1xf32>
    %get3A_33 = arith.constant 0 : index
    %get3A_34 = arith.constant 0 : index
    %get3A_35 = vector.load %arg5[%get3A_33, %get3A_34] : memref<10000x1xf32, #tpu.memory_space<vmem>>, vector<10000x1xf32>
    %add3A_36 = arith.addf %get3A_32, %get3A_35 : vector<10000x1xf32>
    %add3A_37 = arith.constant 1.000000e+00 : f32
    %add3A_38 = vector.broadcast %add3A_37 : f32 to vector<10000x1xf32>
    %add3A_39 = arith.addf %add3A_36, %add3A_38 : vector<10000x1xf32>
    %rsqrt3A_40 = math.rsqrt %add3A_39 : vector<10000x1xf32>
    %mul3A_41 = vector.broadcast %rsqrt3A_40 : vector<10000x1xf32> to vector<10000x128xf32>
    %mul3A_42 = arith.mulf %dot_general3A_29, %mul3A_41 : vector<10000x128xf32>
    %swap3A = arith.constant 0 : index
    %swap3A_43 = arith.constant 0 : index
    %swap3A_44 = vector.load %arg6[%swap3A, %swap3A_43] : memref<10000x128xf32, #tpu.memory_space<vmem>>, vector<10000x128xf32>
    tpu.vector_store %arg6[%swap3A, %swap3A_43], %mul3A_42 {strides = array<i32>} : memref<10000x128xf32, #tpu.memory_space<vmem>>, vector<10000x128xf32>,
    return
  }
}

module attributes {stable_mosaic.version = 14 : i64} {
  func.func @_fin_body(%arg0: memref<2x10112x128xf32, #tpu.memory_space<vmem>>, %arg1: memref<10000x128xf32, #tpu.memory_space<vmem>>, %arg2: memref<10000x1xf32, #tpu.memory_space<vmem>>, %arg3: memref<10000x1xf32, #tpu.memory_space<vmem>>, %arg4: memref<1x128xf32, #tpu.memory_space<vmem>>, %arg5: memref<10000x128xf32, #tpu.memory_space<vmem>>) attributes {dimension_semantics = [], scalar_prefetch = 0 : i64, scratch_operands = 0 : i64, tpu.core_type = #tpu.core_type<tc>} {
    %get3A = arith.constant 0 : index
    %get3A_0 = arith.constant 0 : index
    %get3A_1 = vector.load %arg2[%get3A, %get3A_0] : memref<10000x1xf32, #tpu.memory_space<vmem>>, vector<10000x1xf32>
    %get3A_2 = arith.constant 0 : index
    %get3A_3 = arith.constant 0 : index
    %get3A_4 = vector.load %arg3[%get3A_2, %get3A_3] : memref<10000x1xf32, #tpu.memory_space<vmem>>, vector<10000x1xf32>
    %add3A = arith.addf %get3A_1, %get3A_4 : vector<10000x1xf32>
    %add3A_5 = arith.constant 1.000000e+00 : f32
    %add3A_6 = vector.broadcast %add3A_5 : f32 to vector<10000x1xf32>
    %add3A_7 = arith.addf %add3A, %add3A_6 : vector<10000x1xf32>
    %rsqrt3A = math.rsqrt %add3A_7 : vector<10000x1xf32>
    %get3A_8 = arith.constant 0 : index
    %get3A_9 = arith.constant 0 : index
    %get3A_10 = arith.constant 0 : index
    %get3A_11 = vector.load %arg0[%get3A_8, %get3A_9, %get3A_10] : memref<2x10112x128xf32, #tpu.memory_space<vmem>>, vector<1x10000x128xf32>
    %get3A_12 = vector.shape_cast %get3A_11 : vector<1x10000x128xf32> to vector<10000x128xf32>
    %get3A_13 = arith.constant 1 : index
    %get3A_14 = arith.constant 0 : index
    %get3A_15 = arith.constant 0 : index
    %get3A_16 = vector.load %arg0[%get3A_13, %get3A_14, %get3A_15] : memref<2x10112x128xf32, #tpu.memory_space<vmem>>, vector<1x10000x128xf32>
    %get3A_17 = vector.shape_cast %get3A_16 : vector<1x10000x128xf32> to vector<10000x128xf32>
    %add3A_18 = arith.addf %get3A_12, %get3A_17 : vector<10000x128xf32>
    %get3A_19 = arith.constant 0 : index
    %get3A_20 = arith.constant 0 : index
    %get3A_21 = vector.load %arg1[%get3A_19, %get3A_20] : memref<10000x128xf32, #tpu.memory_space<vmem>>, vector<10000x128xf32>
    %add3A_22 = arith.addf %add3A_18, %get3A_21 : vector<10000x128xf32>
    %mul3A = vector.broadcast %rsqrt3A : vector<10000x1xf32> to vector<10000x128xf32>
    %mul3A_23 = arith.mulf %add3A_22, %mul3A : vector<10000x128xf32>
    %get3A_24 = arith.constant 0 : index
    %get3A_25 = arith.constant 0 : index
    %get3A_26 = vector.load %arg4[%get3A_24, %get3A_25] : memref<1x128xf32, #tpu.memory_space<vmem>>, vector<1x128xf32>
    %add3A_27 = vector.broadcast %get3A_26 : vector<1x128xf32> to vector<10000x128xf32>
    %add3A_28 = arith.addf %mul3A_23, %add3A_27 : vector<10000x128xf32>
    %max3A = arith.constant 0.000000e+00 : f32
    %max3A_29 = vector.broadcast %max3A : f32 to vector<10000x128xf32>
    %max3A_30 = arith.maximumf %add3A_28, %max3A_29 : vector<10000x128xf32>
    %swap3A = arith.constant 0 : index
    %swap3A_31 = arith.constant 0 : index
    %swap3A_32 = vector.load %arg5[%swap3A, %swap3A_31] : memref<10000x128xf32, #tpu.memory_space<vmem>>, vector<10000x128xf32>
    tpu.vector_store %arg5[%swap3A, %swap3A_31], %max3A_30 {strides = array<i32>} : memref<10000x128xf32, #tpu.memory_space<vmem>>, vector<10000x128xf32>,
    return
  }
}

</mosaic_0001>

<sc_bundles>
// kernel: kernel.6.cloned.1.call-start
scs
__scs_entry_jumppad:
0x0: {  	(pc) =	sbr.rel $0x88, $3  }
0x1: {  	(tag) =	ssettag $0x0;
	lr =	simm.s32 $0x1  }
0x2: {  	[smem:$0x3F9B] =	sst lr;
	_ =	strace $0xD0000000  }
0x3: {  	_ = 	snop  }
0x4: {  	_ = 	snop  }
0x5: {  	_ = 	snop  }
0x6: {  	_ = 	snop  }
0x7: {  	_ = 	snop  }
__scs_overlays_trampoline_lowered:
0x8: {  	[smem:$0x3FAA] =	sst s0  }
0x9: {  	[smem:$0x3FAB] =	sst s1  }
0xa: {  	[smem:$0x3FAC] =	sst s2  }
0xb: {  	[smem:$0x3FAD] =	sst s3  }
0xc: {  	[smem:$0x3FAE] =	sst s4  }
0xd: {  	[smem:$0x3FAF] =	sst s5  }
0xe: {  	[smem:$0x3FB0] =	sst s6  }
0xf: {  	[smem:$0x3FB1] =	sst s7  }
0x10: {  	[smem:$0x3FB2] =	sst s8  }
0x11: {  	[smem:$0x3FB3] =	sst s9;
	s0 =	simm.s32 @!p0 $0x0  }
0x12: {  	s1 =	sld [smem:$0x3F99];
	s0 =	simm.s32 @p0 $0x1  }
0x13: {  	[smem:$0x3FB4] =	sst s0;
	s0 =	simm.s32 @!p1 $0x0  }
0x14: {  	s2 =	sld [smem:$0x3F98];
	s0 =	simm.s32 @p1 $0x1  }
0x15: {  	[smem:$0x3FB5] =	sst s0;
	s0 =	simm.s32 @!p2 $0x0  }
0x16: {  	s3 =	sld [smem:$0x3FDB];
	s0 =	simm.s32 @p2 $0x1  }
0x17: {  	s4 =	simm.s32 $0x1BF5;
	[smem:$0x3FB7] =	sst s0  }
0x18: {  	s0 =	sld [smem:$0x3F9A];
	_ =	swait.ge [sflag:s4], $0x0  }
0x19: {  	s7 =	sld [smem:$0x3F9B]  }
0x1a: {  	s8 =	sadd.s32 $0xFFFFE003, lr  }
0x1b: {  	s9 =	sadd.s32 $0xFFFFFEF7, lr;
	s5 =	simm.s32 $0xFFFFFFFF;
	p2 =	slt.u32 s8, $0xFFFFF086  }
0x1c: {  	p1 =	slt.u32 s9, $0xF7A;
	s5 =	simm.s32 @!p2 $0x0  }
0x1d: {  	s5 =	simm.s32 @p1 $0x1;
	p0 =	seq.s32 s7, s2  }
0x1e: {  	s7 =	smul.u32 @!p0 $0xF7A, s2;
	p2 =	seq.s32 @!p0 s5, $0x0  }
0x1f: {  	s9 =	smul.u32 $0xF7A, s1;
	s8 =	simm.s32 @!p0 $0x1BF5;
	p2 =	por !p2, p0  }
0x20: {  	[sflag:s8] =	ssyncset.s32 @!p0 $0xFFFFF086;
	s6 =	sadd.s32 @!p0 s3, s7;
	s7 =	simm.s32 @!p0 $0x108  }
0x21: {  	s3 =	sadd.s32 s3, s9;
	s6 =	sadd.s32 @!p0 $0x88, s6;
	s7 =	simm.s32 @p2 $0x1082  }
0x22: {  	[simem:s7], [sflag:s8] =	dma.local @!p0 [hbm:s6], $0xF7A  }
0x23: {  	s9 =	sor.u32 $0xD0000000, s2;
	s6 =	simm.s32 $0x108;
	_ =	swait.ge @!p0 [sflag:s8], $0x0  }
0x24: {  	s3 =	sadd.s32 $0x88, s3;
	s6 =	simm.s32 @!p1 $0x1082;
	[sflag:s4] =	ssyncset.s32 $0xFFFFF086  }
0x25: {  	[simem:s6], [sflag:s4] =	dma.local [hbm:s3], $0xF7A  }
0x26: {  	[smem:$0x3F9B] =	sst s1;
	(tag) =	ssettag s2;
	_ =	strace s9  }
0x27: {  	s1 =	sld [smem:$0x3FAB]  }
0x28: {  	s2 =	sld [smem:$0x3FAC]  }
0x29: {  	s4 =	sld [smem:$0x3FAE]  }
0x2a: {  	p0 =	seq.s32 s5, $0x0;
	s5 =	sld [smem:$0x3FAF]  }
0x2b: {  	s6 =	sld [smem:$0x3FB0]  }
0x2c: {  	s7 =	sld [smem:$0x3FB1]  }
0x2d: {  	s3 =	simm.s32 $0x108;
	s8 =	sld [smem:$0x3FB2]  }
0x2e: {  	s3 =	simm.s32 @!p0 $0x1082;
	s9 =	sld [smem:$0x3FB3]  }
0x2f: {  	lr =	sadd.s32 s0, s3;
	s0 =	sld [smem:$0x3FAA]  }
0x30: {  	s3 =	sld [smem:$0x3FAD]  }
0x31: {  	[smem:$0x3FB6] =	sst s10  }
0x32: {  	s10 =	sld [smem:$0x3FB4];
	_ =	sdelay $0x3  }
0x33: {  	p0 =	seq.s32 s10, $0x1;
	s10 =	sld [smem:$0x3FB6];
	_ =	sdelay $0x3  }
0x34: {  	[smem:$0x3FB6] =	sst s10  }
0x35: {  	s10 =	sld [smem:$0x3FB5];
	_ =	sdelay $0x3  }
0x36: {  	p1 =	seq.s32 s10, $0x1;
	s10 =	sld [smem:$0x3FB6];
	_ =	sdelay $0x3  }
0x37: {  	[smem:$0x3FB6] =	sst s10  }
0x38: {  	s10 =	sld [smem:$0x3FB7]  }
0x39: {  	_ = 	snop;
	(pc) =	sbr.ind lr, $3  }
0x3a: {  	_ = 	snop  }
0x3b: {  	_ = 	snop  }
0x3c: {  	p2 =	seq.s32 s10, $0x1;
	s10 =	sld [smem:$0x3FB6]  }
0x3d: {  	_ =	shalt  }
0x3e: {  	_ =	shalt  }
0x3f: {  	_ =	shalt  }
0x40: {  	_ =	shalt  }
0x41: {  	_ =	shalt  }
0x42: {  	_ =	shalt  }
0x43: {  	_ =	shalt  }
0x44: {  	_ =	shalt  }
0x45: {  	_ =	shalt  }
0x46: {  	_ =	shalt  }
0x47: {  	_ =	shalt  }
0x48: {  	_ =	shalt  }
0x49: {  	_ =	shalt  }
0x4a: {  	_ =	shalt  }
0x4b: {  	_ =	shalt  }
0x4c: {  	_ =	shalt  }
0x4d: {  	_ =	shalt  }
0x4e: {  	_ =	shalt  }
0x4f: {  	_ =	shalt  }
0x50: {  	_ =	shalt  }
0x51: {  	_ =	shalt  }
0x52: {  	_ =	shalt  }
0x53: {  	_ =	shalt  }
0x54: {  	_ =	shalt  }
0x55: {  	_ =	shalt  }
0x56: {  	_ =	shalt  }
0x57: {  	_ =	shalt  }
0x58: {  	_ =	shalt  }
0x59: {  	_ =	shalt  }
0x5a: {  	_ =	shalt  }
0x5b: {  	_ =	shalt  }
0x5c: {  	_ =	shalt  }
0x5d: {  	_ =	shalt  }
0x5e: {  	_ =	shalt  }
0x5f: {  	_ =	shalt  }
0x60: {  	_ =	shalt  }
0x61: {  	_ =	shalt  }
0x62: {  	_ =	shalt  }
0x63: {  	_ =	shalt  }
0x64: {  	_ =	shalt  }
0x65: {  	_ =	shalt  }
0x66: {  	_ =	shalt  }
0x67: {  	_ =	shalt  }
0x68: {  	_ =	shalt  }
0x69: {  	_ =	shalt  }
0x6a: {  	_ =	shalt  }
0x6b: {  	_ =	shalt  }
0x6c: {  	_ =	shalt  }
0x6d: {  	_ =	shalt  }
0x6e: {  	_ =	shalt  }
0x6f: {  	_ =	shalt  }
0x70: {  	_ =	shalt  }
0x71: {  	_ =	shalt  }
0x72: {  	_ =	shalt  }
0x73: {  	_ =	shalt  }
0x74: {  	_ =	shalt  }
0x75: {  	_ =	shalt  }
0x76: {  	_ =	shalt  }
0x77: {  	_ =	shalt  }
0x78: {  	_ =	shalt  }
0x79: {  	_ =	shalt  }
0x7a: {  	_ =	shalt  }
0x7b: {  	_ =	shalt  }
0x7c: {  	_ =	shalt  }
0x7d: {  	_ =	shalt  }
0x7e: {  	_ =	shalt  }
0x7f: {  	_ =	shalt  }
0x80: {  	_ =	shalt  }
0x81: {  	_ =	shalt  }
0x82: {  	_ =	shalt  }
0x83: {  	_ =	shalt  }
0x84: {  	_ =	shalt  }
0x85: {  	_ =	shalt  }
0x86: {  	_ =	shalt  }
0x87: {  	_ =	shalt  }
.Lfunc_end0:
.L_simem_size_0:
called_computation_lowered:
.L_overlay_start_0:
0x88: {  	s2 =	sld [smem:$0x3FD9]  }
0x89: {  	s3 =	sld [smem:$0x3FFE];
	_ =	sdelay $0x1  }
0x8a: {  	s1 =	srdreg.scid  }
0x8b: {  	s0 =	sand.u32 $0x1, s1  }
0x8c: {  	s17 =	sshll.u32 s0, $0xA;
	s2 =	sadd.s32 s3, s2  }
0x8d: {  	s2 =	sadd.s32 s2, s17  }
0x8e: {  	[smem:$0x3FC2] =	sst s2  }
0x8f: {  	_ = 	snop  }
0x90: {  	s2 =	sld [smem:$0x3FD0];
	(tm) =	ssettm $0x1  }
0x91: {  	s18 =	sld [smem:$0x3FFB];
	_ =	sdelay $0x3  }
0x92: {  	_ =	strace s18  }
0x93: {  	s3 =	sld [smem:$0x3FFC];
	_ =	sdelay $0x3  }
0x94: {  	_ =	strace s3  }
0x95: {  	s3 =	sld [smem:$0x3FFD];
	_ =	sdelay $0x3  }
0x96: {  	_ =	strace s3  }
0x97: {  	_ =	strace $0x8FFFFFFF  }
0x98: {  	s19 =	sld [smem:$0x3FDB];
	_ =	sdelay $0x1  }
0x99: {  	s4 =	simm.s32 $_scs_section_size  }
0x9a: {  	s5 =	simm.s32 $_size__tile_overlayer_lowered;
	s6 =	simm.s32 $_tile_overlayer_lowered  }
0x9b: {  	s22 =	simm.s32 $0x1BFF;
	s21 =	sshll.u32 s6, $0x1;
	s3 =	sadd.s32 s4, s19  }
0x9c: {  	s7 =	simm.s32 $0x0;
	s20 =	sshll.u32 s5, $0x1;
	s5 =	sadd.s32 s21, s3  }
0x9d: {  	[timem:s7], [sflag:s22] =	dma.local [hbm:s5], s20  }
0x9e: {  	_ =	swait.ge [sflag:s22], s20  }
0x9f: {  	s4 =	ssub.s32 $0x0, s20;
	[sflag:s22] =	ssyncset.done $0x0  }
0xa0: {  	[sflag:s22] =	ssyncadd.s32 s4;
	_ =	sdelay $0x1  }
0xa1: {  	s23 =	simm.s32 $0x1B8B  }
0xa2: {  	_ =	swait.ge [sflag:s23], $0x1  }
0xa3: {  	[sflag:s23] =	ssyncset.done $0x0  }
0xa4: {  	s25 =	simm.s32 $0x1B8E;
	s24 =	sld [smem:$0x3FFE];
	[sflag:s23] =	ssyncadd.s32 $0xFFFFFFFF  }
0xa5: {  	s26 =	simm.s32 $execute0_lowered;
	[smem:$0x3FD2] =	sst s25  }
0xa6: {  	s5 =	sshll.u32 s26, $0x1;
	_ =	strace $0x80000046;
	[dreg:$0x1] =	wrdreg $0xFFFFFFFF  }
0xa7: {  	s28 =	simm.s32 $_size_execute0_lowered;
	s3 =	sadd.s32 s3, s5;
	[dreg:$0x0] =	wrdreg $0x0  }
0xa8: {  	s5 =	sshll.u32 s28, $0x1;
	[dreg:$0x2] =	wrdreg s3  }
0xa9: {  	[dreg:$0x3] =	wrdreg s5  }
0xaa: {  	[dreg:$0x4] =	wrdreg $0xC0  }
0xab: {  	_ =	task [dreg:s7], $0x5FFFF  }
0xac: {  	[dreg:$0x1] =	wrdreg $0xFFFFFFFF  }
0xad: {  	[dreg:$0x0] =	wrdreg $0x60  }
0xae: {  	[dreg:$0x2] =	wrdreg s24  }
0xaf: {  	[dreg:$0x3] =	wrdreg s2  }
0xb0: {  	[dreg:$0x4] =	wrdreg $0x50000  }
0xb1: {  	[dreg:$0x5] =	wrdreg $0x9  }
0xb2: {  	_ =	task.clear_ibuf [dreg:s7], $0x6FFFF;
	_ =	strace $0x90000046  }
0xb3: {  	s29 =	simm.s32 $0x9;
	_ =	strace $0x80000048  }
0xb4: {  	_ =	swait.ge [sflag:s29], $0x1  }
0xb5: {  	[sflag:s29] =	ssyncadd.s32 $0xFFFFFFFF  }
0xb6: {  	_ =	strace $0x90000048  }
0xb7: {  	_ =	sfence  }
0xb8: {  	s30 =	sld [smem:$0x0];
	_ =	sdelay $0x2  }
0xb9: {  	s31 =	sshll.u32 s1, $0xD;
	s1 =	sshrl.u32 s1, $0x2  }
0xba: {  	s3 =	sand.u32 $0x4000, s31;
	s1 =	sadd.s32 s1, s30  }
0xbb: {  	s0 =	sor.u32 s3, s0;
	s1 =	sshll.u32 s1, $0x11  }
0xbc: {  	s0 =	sor.u32 s1, s0  }
0xbd: {  	s0 =	sadd.s32 $0x8F2B, s0  }
0xbe: {  	[sflag:s0] =	ssyncadd.remote.s32 $0x1  }
0xbf: {  	_ =	sfence.sel $0xFFFF  }
0xc0: {  	[dreg:$0x0] =	wrdreg $0xFFFFFFFF;
	(pc) =	sbr.abs _section_cstart, $3  }
0xc1: {  	[dreg:$0x1] =	wrdreg $0xFFFFFFFF  }
0xc2: {  	_ =	task.clear_ibuf [dreg:s7], $0x2FFFF;
	_ =	strace $0x9FFFFFFF  }
0xc3: {  	(tm) =	ssettm $0x7FFFFFFF  }
tec
execute0_lowered:
.L_overlay_start_1:
0x0: {  	(tag) =	ssettag $0x1  }
0x1: {  	s5 =	rddreg [dreg:$0x0]  }
0x2: {  	s7 =	rddreg [dreg:$0x1]  }
0x3: {  	s1 =	srdreg.scid;
	s0 =	stileid.u32  }
0x4: {  	s2 =	rddreg [dreg:$0x2];
	s3 =	simm.s32 $0x0;
	s14 =	simm.s32 $0x50  }
0x5: {  	s16 =	simm.s32 $0x0;
	s6 =	sand.u32 $0x1, s1;
	s1 =	rddreg [dreg:$0x3]  }
0x6: {  	s4 =	sshll.u32 s0, $0x1;
	[smem:$0x7FF] =	sst s3;
	s10 =	smul.u32 $0xA00, s0  }
0x7: {  	s11 =	sshll.u32 s0, $0xA;
	s31 =	sshll.u32 s0, $0x6;
	p0 =	sgt.u32 s0, $0x9  }
0x8: {  	s4 =	sor.u32 s6, s4;
	_ =	strace $0x80000047;
	s9 =	smul.u32 $0x2800, s6  }
0x9: {  	s6 =	ssub.s32 $0x2, s6;
	s15 =	sadd.s32 s11, s2;
	s4 =	smul.u32 $0x4E2, s4  }
0xa: {  	s12 =	sshrl.u32 s6, $0x1;
	s10 =	sshrl.u32 s10, $0x2;
	s15 =	sshrl.u32 @!p0 s15, $0x3  }
0xb: {  	s9 =	sadd.s32 s11, s9;
	s12 =	ssub.s32 s6, s12;
	s13 =	sadd.s32 s10, s2  }
0xc: {  	s10 =	simm.s32 $0x4F80;
	s11 =	sor.u32 $0x1C01, s31;
	s8 =	sadd.s32 s4, s5  }
0xd: {  	s4 =	sadd.s32 $0x15800, s5;
	s5 =	sadd.s32 $0x15A00, s5;
	s9 =	sshrl.u32 s9, $0x3  }
0xe: {  	s6 =	sadd.s32 $0x1C00, s8;
	s7 =	sadd.s32 s7, s9;
	s8 =	smax.u32 s12, $0x1  }
0xf: {  	v0 =	vimm.f32 $0.0e+00;
	v1 =	vimm.f32 $1.000000000e+00;
	s9 =	simm.s32 $0x1;
	s12 =	sshrl.u32 s13, $0x3;
	s13 =	simm.s32 $0x2780  }
.LBB2_1:
0x10: {  	[tilespmem:s3], [sflag:$0x1] =	stream.linear.gather [hbm4b:s6+s3], $0x2710, $0x38;
	[tilespmem:$0x5280] =	vst v63  }
0x11: {  	_ =	swait.ge [sflag:s9], $0x2710  }
0x12: {  	[sflag:s9] =	ssyncset.done $0x0  }
0x13: {  	[sflag:s9] =	ssyncadd.s32 $0xFFFFD8F0  }
0x14: {  	[tilespmem:s10], [sflag:$0x1] =	stream.linear.gather [hbm4b:s4+s3], $0x80, $0x38;
	[tilespmem:$0x5280] =	vst v63  }
0x15: {  	_ =	swait.ge [sflag:s9], $0x80  }
0x16: {  	[sflag:s9] =	ssyncset.done $0x0  }
0x17: {  	[sflag:s9] =	ssyncadd.s32 $0xFFFFFF80  }
0x18: {  	[spmem:s12], [sflag:s11] =	dma.local [hbm:s5], $0x50  }
0x19: {  	_ =	swait.ge [sflag:s9], $0x50  }
0x1a: {  	[sflag:s9] =	ssyncset.done $0x0  }
0x1b: {  	s17 =	simm.s32 $0x0;
	s18 =	simm.s32 $0x200;
	[sflag:s9] =	ssyncadd.s32 $0xFFFFFFB0  }
.LBB2_2:
0x1c: {  	p1 =	sne.s32 s18, $0x9E00;
	[tilespmem:s17+$0x27F0] =	vst v0  }
0x1d: {  	[tilespmem:s17+$0x2780] =	vst v0  }
0x1e: {  	[tilespmem:s17+$0x2790] =	vst v0  }
.Ltmp0:
0x1f: {  	[tilespmem:s17+$0x27A0] =	vst v0;
	(pc) =	sbr.rel @p1 .LBB2_2-.Ltmp0, $4  }
0x20: {  	[tilespmem:s17+$0x27B0] =	vst v0  }
0x21: {  	[tilespmem:s17+$0x27C0] =	vst v0  }
0x22: {  	[tilespmem:s17+$0x27D0] =	vst v0  }
0x23: {  	[tilespmem:s17+$0x27E0] =	vst v0;
	s17 =	sshra.s32 s18, $0x2;
	s18 =	sadd.s32 $0x200, s18  }
0x24: {  	[tilespmem:s17+$0x27F0] =	vst v0  }
0x25: {  	[tilespmem:s17+$0x2780] =	vst v0  }
0x26: {  	[tilespmem:s17+$0x2790] =	vst v0  }
0x27: {  	[tilespmem:s17+$0x27A0] =	vst v0  }
0x28: {  	[tilespmem:s17+$0x27B0] =	vst v0  }
0x29: {  	[tilespmem:s17+$0x27C0] =	vst v0  }
0x2a: {  	[tilespmem:s17+$0x27D0] =	vst v0  }
0x2b: {  	[tilespmem:s17+$0x27E0] =	vst v0  }
0x2c: {  	s17 =	simm.s32 $0x0;
	[bflag:$0x0] =	sbarrier.arrive $0xFFFF  }
.LBB2_4:
0x2d: {  	s18 =	sshra.s32 s17, $0x2  }
0x2e: {  	v2 =	vld [tilespmem:s18+$0x0];
	_ =	sdelay $0x7  }
0x2f: {  	[tilespmem:v2+s13+$0x0] =	vst.idx.add.f32.msk $0xffff, v1  }
0x30: {  	v2 =	vld [tilespmem:s18+$0x10];
	_ =	sdelay $0x7  }
0x31: {  	[tilespmem:v2+s13+$0x0] =	vst.idx.add.f32.msk $0xffff, v1  }
0x32: {  	v2 =	vld [tilespmem:s18+$0x20];
	_ =	sdelay $0x7  }
0x33: {  	[tilespmem:v2+s13+$0x0] =	vst.idx.add.f32.msk $0xffff, v1  }
0x34: {  	v2 =	vld [tilespmem:s18+$0x30];
	_ =	sdelay $0x7  }
0x35: {  	[tilespmem:v2+s13+$0x0] =	vst.idx.add.f32.msk $0xffff, v1  }
0x36: {  	v2 =	vld [tilespmem:s18+$0x40];
	_ =	sdelay $0x7  }
0x37: {  	[tilespmem:v2+s13+$0x0] =	vst.idx.add.f32.msk $0xffff, v1  }
0x38: {  	v2 =	vld [tilespmem:s18+$0x50];
	_ =	sdelay $0x7  }
0x39: {  	[tilespmem:v2+s13+$0x0] =	vst.idx.add.f32.msk $0xffff, v1  }
0x3a: {  	v2 =	vld [tilespmem:s18+$0x60];
	_ =	sdelay $0x7  }
0x3b: {  	[tilespmem:v2+s13+$0x0] =	vst.idx.add.f32.msk $0xffff, v1  }
0x3c: {  	v2 =	vld [tilespmem:s18+$0x70];
	_ =	sdelay $0x2  }
0x3d: {  	p1 =	sne.s32 s17, $0x9A00  }
.Ltmp1:
0x3e: {  	_ = 	snop;
	(pc) =	sbr.rel @p1 .LBB2_4-.Ltmp1, $2  }
0x3f: {  	_ =	sdelay $0x2  }
0x40: {  	s17 =	sadd.s32 $0x200, s17;
	[tilespmem:v2+s13+$0x0] =	vst.idx.add.f32.msk $0xffff, v1  }
0x41: {  	v2 =	vld [tilespmem:$0x2700];
	_ =	sdelay $0x7  }
0x42: {  	[tilespmem:v2+s13+$0x0] =	vst.idx.add.f32.msk $0xffff, v1  }
0x43: {  	[spmem:s2] =	stream.indirect.scatter.add.f32 [tilespmem:s13], [sflag:$0x1], $0x80, s10, s14, $0xb8;
	[tilespmem:$0x5280] =	vst v63  }
0x44: {  	_ =	swait.ge [sflag:s9], $0x2800  }
0x45: {  	s16 =	sadd.s32 $0x1, s16;
	[sflag:s9] =	ssyncset.done $0x0  }
0x46: {  	p1 =	sne.s32 s16, s8;
	[sflag:s9] =	ssyncadd.s32 $0xFFFFD800  }
.Ltmp2:
0x47: {  	s17 =	simm.s32 @!p0 $0x1;
	[bflag:$0x0] =	sbarrier.arrive $0xFFFF;
	(pc) =	sbr.rel @p1 .LBB2_1-.Ltmp2, $4  }
0x48: {  	[hbm:s7], [sflag:s11] =	dma.local @!p0 [spmem:s15], $0x80  }
0x49: {  	_ =	swait.ge @!p0 [sflag:s17], $0x80  }
0x4a: {  	[sflag:s17] =	ssyncset.done @!p0 $0x0  }
0x4b: {  	[sflag:s17] =	ssyncadd.s32 @!p0 $0xFFFFFF80  }
0x4c: {  	_ =	sfence.sel $0x180000  }
0x4d: {  	[bflag:$0x0] =	sbarrier.arrive $0xFFFF  }
0x4e: {  	p0 =	sne.s32 s0, $0x0;
	_ =	strace $0x90000047  }
0x4f: {  	s0 =	sadd.s32 @!p0 $0x100000, s1;
	[bflag:$0x2] =	sbarrier.arrive $0xFFFF  }
0x50: {  	[sflag:s0] =	ssyncadd.tile.s32 @!p0 $0x1;
	_ =	shalt  }
.Lfunc_end2:
_tile_overlayer_lowered:
.L_overlay_start_2:
0x51: {  	(tag) =	ssettag $0x2  }
0x52: {  	s0 =	rddreg [dreg:$0x0];
	s2 =	stileid.u32  }
0x53: {  	s1 =	rddreg [dreg:$0x1];
	p0 =	sne.s32 s2, $0x0  }
0x54: {  	s3 =	rddreg [dreg:$0x2];
	[bflag:$0x3] =	sbarrier.arrive $0xFFFF;
	s2 =	simm.s32 @!p0 $0x1C01  }
0x55: {  	[timem:s3], [sflag:s2] =	dma.local @!p0 [hbm:s0], s1  }
0x56: {  	s0 =	simm.s32 @!p0 $0x1  }
0x57: {  	_ =	swait.ge @!p0 [sflag:s0], s1  }
0x58: {  	s1 =	ssub.s32 @!p0 $0x0, s1;
	[sflag:s0] =	ssyncset.done @!p0 $0x0  }
0x59: {  	[sflag:s0] =	ssyncadd.s32 @!p0 s1  }
0x5a: {  	[bflag:$0x3] =	sbarrier.arrive $0xFFFF  }
0x5b: {  	_ =	shalt  }

// kernel: kernel.9.cloned.1.call-start
scs
__scs_entry_jumppad:
0x0: {  	(pc) =	sbr.rel $0x88, $3  }
0x1: {  	(tag) =	ssettag $0x0;
	lr =	simm.s32 $0x1  }
0x2: {  	[smem:$0x3F9B] =	sst lr;
	_ =	strace $0xD0000000  }
0x3: {  	_ = 	snop  }
0x4: {  	_ = 	snop  }
0x5: {  	_ = 	snop  }
0x6: {  	_ = 	snop  }
0x7: {  	_ = 	snop  }
__scs_overlays_trampoline_lowered:
0x8: {  	[smem:$0x3FAA] =	sst s0  }
0x9: {  	[smem:$0x3FAB] =	sst s1  }
0xa: {  	[smem:$0x3FAC] =	sst s2  }
0xb: {  	[smem:$0x3FAD] =	sst s3  }
0xc: {  	[smem:$0x3FAE] =	sst s4  }
0xd: {  	[smem:$0x3FAF] =	sst s5  }
0xe: {  	[smem:$0x3FB0] =	sst s6  }
0xf: {  	[smem:$0x3FB1] =	sst s7  }
0x10: {  	[smem:$0x3FB2] =	sst s8  }
0x11: {  	[smem:$0x3FB3] =	sst s9;
	s0 =	simm.s32 @!p0 $0x0  }
0x12: {  	s1 =	sld [smem:$0x3F99];
	s0 =	simm.s32 @p0 $0x1  }
0x13: {  	[smem:$0x3FB4] =	sst s0;
	s0 =	simm.s32 @!p1 $0x0  }
0x14: {  	s2 =	sld [smem:$0x3F98];
	s0 =	simm.s32 @p1 $0x1  }
0x15: {  	[smem:$0x3FB5] =	sst s0;
	s0 =	simm.s32 @!p2 $0x0  }
0x16: {  	s3 =	sld [smem:$0x3FDB];
	s0 =	simm.s32 @p2 $0x1  }
0x17: {  	s4 =	simm.s32 $0x1BF5;
	[smem:$0x3FB7] =	sst s0  }
0x18: {  	s0 =	sld [smem:$0x3F9A];
	_ =	swait.ge [sflag:s4], $0x0  }
0x19: {  	s7 =	sld [smem:$0x3F9B]  }
0x1a: {  	s8 =	sadd.s32 $0xFFFFE003, lr  }
0x1b: {  	s9 =	sadd.s32 $0xFFFFFEF7, lr;
	s5 =	simm.s32 $0xFFFFFFFF;
	p2 =	slt.u32 s8, $0xFFFFF086  }
0x1c: {  	p1 =	slt.u32 s9, $0xF7A;
	s5 =	simm.s32 @!p2 $0x0  }
0x1d: {  	s5 =	simm.s32 @p1 $0x1;
	p0 =	seq.s32 s7, s2  }
0x1e: {  	s7 =	smul.u32 @!p0 $0xF7A, s2;
	p2 =	seq.s32 @!p0 s5, $0x0  }
0x1f: {  	s9 =	smul.u32 $0xF7A, s1;
	s8 =	simm.s32 @!p0 $0x1BF5;
	p2 =	por !p2, p0  }
0x20: {  	[sflag:s8] =	ssyncset.s32 @!p0 $0xFFFFF086;
	s6 =	sadd.s32 @!p0 s3, s7;
	s7 =	simm.s32 @!p0 $0x108  }
0x21: {  	s3 =	sadd.s32 s3, s9;
	s6 =	sadd.s32 @!p0 $0x88, s6;
	s7 =	simm.s32 @p2 $0x1082  }
0x22: {  	[simem:s7], [sflag:s8] =	dma.local @!p0 [hbm:s6], $0xF7A  }
0x23: {  	s9 =	sor.u32 $0xD0000000, s2;
	s6 =	simm.s32 $0x108;
	_ =	swait.ge @!p0 [sflag:s8], $0x0  }
0x24: {  	s3 =	sadd.s32 $0x88, s3;
	s6 =	simm.s32 @!p1 $0x1082;
	[sflag:s4] =	ssyncset.s32 $0xFFFFF086  }
0x25: {  	[simem:s6], [sflag:s4] =	dma.local [hbm:s3], $0xF7A  }
0x26: {  	[smem:$0x3F9B] =	sst s1;
	(tag) =	ssettag s2;
	_ =	strace s9  }
0x27: {  	s1 =	sld [smem:$0x3FAB]  }
0x28: {  	s2 =	sld [smem:$0x3FAC]  }
0x29: {  	s4 =	sld [smem:$0x3FAE]  }
0x2a: {  	p0 =	seq.s32 s5, $0x0;
	s5 =	sld [smem:$0x3FAF]  }
0x2b: {  	s6 =	sld [smem:$0x3FB0]  }
0x2c: {  	s7 =	sld [smem:$0x3FB1]  }
0x2d: {  	s3 =	simm.s32 $0x108;
	s8 =	sld [smem:$0x3FB2]  }
0x2e: {  	s3 =	simm.s32 @!p0 $0x1082;
	s9 =	sld [smem:$0x3FB3]  }
0x2f: {  	lr =	sadd.s32 s0, s3;
	s0 =	sld [smem:$0x3FAA]  }
0x30: {  	s3 =	sld [smem:$0x3FAD]  }
0x31: {  	[smem:$0x3FB6] =	sst s10  }
0x32: {  	s10 =	sld [smem:$0x3FB4];
	_ =	sdelay $0x3  }
0x33: {  	p0 =	seq.s32 s10, $0x1;
	s10 =	sld [smem:$0x3FB6];
	_ =	sdelay $0x3  }
0x34: {  	[smem:$0x3FB6] =	sst s10  }
0x35: {  	s10 =	sld [smem:$0x3FB5];
	_ =	sdelay $0x3  }
0x36: {  	p1 =	seq.s32 s10, $0x1;
	s10 =	sld [smem:$0x3FB6];
	_ =	sdelay $0x3  }
0x37: {  	[smem:$0x3FB6] =	sst s10  }
0x38: {  	s10 =	sld [smem:$0x3FB7]  }
0x39: {  	_ = 	snop;
	(pc) =	sbr.ind lr, $3  }
0x3a: {  	_ = 	snop  }
0x3b: {  	_ = 	snop  }
0x3c: {  	p2 =	seq.s32 s10, $0x1;
	s10 =	sld [smem:$0x3FB6]  }
0x3d: {  	_ =	shalt  }
0x3e: {  	_ =	shalt  }
0x3f: {  	_ =	shalt  }
0x40: {  	_ =	shalt  }
0x41: {  	_ =	shalt  }
0x42: {  	_ =	shalt  }
0x43: {  	_ =	shalt  }
0x44: {  	_ =	shalt  }
0x45: {  	_ =	shalt  }
0x46: {  	_ =	shalt  }
0x47: {  	_ =	shalt  }
0x48: {  	_ =	shalt  }
0x49: {  	_ =	shalt  }
0x4a: {  	_ =	shalt  }
0x4b: {  	_ =	shalt  }
0x4c: {  	_ =	shalt  }
0x4d: {  	_ =	shalt  }
0x4e: {  	_ =	shalt  }
0x4f: {  	_ =	shalt  }
0x50: {  	_ =	shalt  }
0x51: {  	_ =	shalt  }
0x52: {  	_ =	shalt  }
0x53: {  	_ =	shalt  }
0x54: {  	_ =	shalt  }
0x55: {  	_ =	shalt  }
0x56: {  	_ =	shalt  }
0x57: {  	_ =	shalt  }
0x58: {  	_ =	shalt  }
0x59: {  	_ =	shalt  }
0x5a: {  	_ =	shalt  }
0x5b: {  	_ =	shalt  }
0x5c: {  	_ =	shalt  }
0x5d: {  	_ =	shalt  }
0x5e: {  	_ =	shalt  }
0x5f: {  	_ =	shalt  }
0x60: {  	_ =	shalt  }
0x61: {  	_ =	shalt  }
0x62: {  	_ =	shalt  }
0x63: {  	_ =	shalt  }
0x64: {  	_ =	shalt  }
0x65: {  	_ =	shalt  }
0x66: {  	_ =	shalt  }
0x67: {  	_ =	shalt  }
0x68: {  	_ =	shalt  }
0x69: {  	_ =	shalt  }
0x6a: {  	_ =	shalt  }
0x6b: {  	_ =	shalt  }
0x6c: {  	_ =	shalt  }
0x6d: {  	_ =	shalt  }
0x6e: {  	_ =	shalt  }
0x6f: {  	_ =	shalt  }
0x70: {  	_ =	shalt  }
0x71: {  	_ =	shalt  }
0x72: {  	_ =	shalt  }
0x73: {  	_ =	shalt  }
0x74: {  	_ =	shalt  }
0x75: {  	_ =	shalt  }
0x76: {  	_ =	shalt  }
0x77: {  	_ =	shalt  }
0x78: {  	_ =	shalt  }
0x79: {  	_ =	shalt  }
0x7a: {  	_ =	shalt  }
0x7b: {  	_ =	shalt  }
0x7c: {  	_ =	shalt  }
0x7d: {  	_ =	shalt  }
0x7e: {  	_ =	shalt  }
0x7f: {  	_ =	shalt  }
0x80: {  	_ =	shalt  }
0x81: {  	_ =	shalt  }
0x82: {  	_ =	shalt  }
0x83: {  	_ =	shalt  }
0x84: {  	_ =	shalt  }
0x85: {  	_ =	shalt  }
0x86: {  	_ =	shalt  }
0x87: {  	_ =	shalt  }
.Lfunc_end0:
.L_simem_size_0:
called_computation.1_lowered:
.L_overlay_start_0:
0x88: {  	s2 =	sld [smem:$0x3FD9]  }
0x89: {  	s3 =	sld [smem:$0x3FFE];
	_ =	sdelay $0x1  }
0x8a: {  	s1 =	srdreg.scid  }
0x8b: {  	s0 =	sand.u32 $0x1, s1  }
0x8c: {  	s17 =	sshll.u32 s0, $0xA;
	s2 =	sadd.s32 s3, s2  }
0x8d: {  	s2 =	sadd.s32 s2, s17  }
0x8e: {  	[smem:$0x3FC2] =	sst s2  }
0x8f: {  	_ = 	snop  }
0x90: {  	s2 =	sld [smem:$0x3FD0];
	(tm) =	ssettm $0x1  }
0x91: {  	s18 =	sld [smem:$0x3FFB];
	_ =	sdelay $0x3  }
0x92: {  	_ =	strace s18  }
0x93: {  	s3 =	sld [smem:$0x3FFC];
	_ =	sdelay $0x3  }
0x94: {  	_ =	strace s3  }
0x95: {  	s3 =	sld [smem:$0x3FFD];
	_ =	sdelay $0x3  }
0x96: {  	_ =	strace s3  }
0x97: {  	_ =	strace $0x8FFFFFFF  }
0x98: {  	s19 =	sld [smem:$0x3FDB];
	_ =	sdelay $0x1  }
0x99: {  	s4 =	simm.s32 $_scs_section_size  }
0x9a: {  	s5 =	simm.s32 $_size__tile_overlayer_lowered;
	s6 =	simm.s32 $_tile_overlayer_lowered  }
0x9b: {  	s22 =	simm.s32 $0x1BFF;
	s21 =	sshll.u32 s6, $0x1;
	s3 =	sadd.s32 s4, s19  }
0x9c: {  	s7 =	simm.s32 $0x0;
	s20 =	sshll.u32 s5, $0x1;
	s5 =	sadd.s32 s21, s3  }
0x9d: {  	[timem:s7], [sflag:s22] =	dma.local [hbm:s5], s20  }
0x9e: {  	_ =	swait.ge [sflag:s22], s20  }
0x9f: {  	s4 =	ssub.s32 $0x0, s20;
	[sflag:s22] =	ssyncset.done $0x0  }
0xa0: {  	[sflag:s22] =	ssyncadd.s32 s4;
	_ =	sdelay $0x1  }
0xa1: {  	s23 =	simm.s32 $0x1B8B  }
0xa2: {  	_ =	swait.ge [sflag:s23], $0x1  }
0xa3: {  	[sflag:s23] =	ssyncset.done $0x0  }
0xa4: {  	s25 =	simm.s32 $0x1B8E;
	s24 =	sld [smem:$0x3FFE];
	[sflag:s23] =	ssyncadd.s32 $0xFFFFFFFF  }
0xa5: {  	s26 =	simm.s32 $execute0_lowered;
	[smem:$0x3FD2] =	sst s25  }
0xa6: {  	s5 =	sshll.u32 s26, $0x1;
	_ =	strace $0x80000049;
	[dreg:$0x1] =	wrdreg $0xFFFFFFFF  }
0xa7: {  	s28 =	simm.s32 $_size_execute0_lowered;
	s3 =	sadd.s32 s3, s5;
	[dreg:$0x0] =	wrdreg $0x0  }
0xa8: {  	s5 =	sshll.u32 s28, $0x1;
	[dreg:$0x2] =	wrdreg s3  }
0xa9: {  	[dreg:$0x3] =	wrdreg s5  }
0xaa: {  	[dreg:$0x4] =	wrdreg $0xC0  }
0xab: {  	_ =	task [dreg:s7], $0x5FFFF  }
0xac: {  	[dreg:$0x1] =	wrdreg $0xFFFFFFFF  }
0xad: {  	[dreg:$0x0] =	wrdreg $0x60  }
0xae: {  	[dreg:$0x2] =	wrdreg s24  }
0xaf: {  	[dreg:$0x3] =	wrdreg s2  }
0xb0: {  	[dreg:$0x4] =	wrdreg $0xA0000  }
0xb1: {  	[dreg:$0x5] =	wrdreg $0x9  }
0xb2: {  	_ =	task.clear_ibuf [dreg:s7], $0x6FFFF;
	_ =	strace $0x90000049  }
0xb3: {  	s29 =	simm.s32 $0x9;
	_ =	strace $0x8000004B  }
0xb4: {  	_ =	swait.ge [sflag:s29], $0x1  }
0xb5: {  	[sflag:s29] =	ssyncadd.s32 $0xFFFFFFFF  }
0xb6: {  	_ =	strace $0x9000004B  }
0xb7: {  	_ =	sfence  }
0xb8: {  	s30 =	sld [smem:$0x0];
	_ =	sdelay $0x2  }
0xb9: {  	s31 =	sshll.u32 s1, $0xD;
	s1 =	sshrl.u32 s1, $0x2  }
0xba: {  	s3 =	sand.u32 $0x4000, s31;
	s1 =	sadd.s32 s1, s30  }
0xbb: {  	s0 =	sor.u32 s3, s0;
	s1 =	sshll.u32 s1, $0x11  }
0xbc: {  	s0 =	sor.u32 s1, s0  }
0xbd: {  	s0 =	sadd.s32 $0x8F2B, s0  }
0xbe: {  	[sflag:s0] =	ssyncadd.remote.s32 $0x1  }
0xbf: {  	_ =	sfence.sel $0xFFFF  }
0xc0: {  	[dreg:$0x0] =	wrdreg $0xFFFFFFFF;
	(pc) =	sbr.abs _section_cstart, $3  }
0xc1: {  	[dreg:$0x1] =	wrdreg $0xFFFFFFFF  }
0xc2: {  	_ =	task.clear_ibuf [dreg:s7], $0x2FFFF;
	_ =	strace $0x9FFFFFFF  }
0xc3: {  	(tm) =	ssettm $0x7FFFFFFF  }
tec
execute0_lowered:
.L_overlay_start_1:
0x0: {  	(tag) =	ssettag $0x1  }
0x1: {  	s6 =	rddreg [dreg:$0x0]  }
0x2: {  	s1 =	srdreg.scid;
	s2 =	rddreg [dreg:$0x1]  }
0x3: {  	s0 =	stileid.u32;
	s3 =	rddreg [dreg:$0x2];
	s4 =	simm.s32 $0x0  }
0x4: {  	s18 =	simm.s32 $0x2800;
	s19 =	simm.s32 $0x5000;
	s20 =	simm.s32 $0x1  }
0x5: {  	s21 =	simm.s32 $0x7800;
	s22 =	simm.s32 $0x2780;
	s10 =	smul.u32 $0x13C00, s0  }
0x6: {  	s7 =	sand.u32 $0x1, s1;
	s23 =	sshll.u32 s0, $0x1;
	s12 =	smul.u32 $0x4F000, s0  }
0x7: {  	[smem:$0x7FF] =	sst s4;
	s13 =	sadd.s32 $0x1C00, s6;
	s15 =	smul.u32 $0x4E20, s0  }
0x8: {  	s31 =	sshll.u32 s0, $0x6;
	s5 =	sor.u32 s7, s23;
	s8 =	smul.u32 $0x13C000, s7  }
0x9: {  	_ =	strace $0x8000004A;
	s24 =	ssub.s32 $0x2, s7;
	s25 =	smul.u32 $0x2710, s7  }
0xa: {  	s23 =	simm.s32 $0x2;
	s5 =	smul.u32 $0x2710, s5;
	s14 =	sshrl.u32 s24, $0x1  }
0xb: {  	s26 =	sshrl.u32 s12, $0x2;
	s8 =	sadd.s32 s10, s8;
	s10 =	ssub.s32 s24, s14  }
0xc: {  	s17 =	sadd.s32 s26, s3;
	s28 =	sadd.s32 s25, s15;
	s15 =	sor.u32 $0x1C04, s31  }
0xd: {  	s24 =	simm.s32 $0x3;
	s25 =	simm.s32 $0x0;
	s9 =	sshrl.u32 s5, $0x3  }
0xe: {  	s5 =	sadd.s32 $0x15800, s6;
	s8 =	sshrl.u32 s8, $0x3;
	s29 =	sadd.s32 $0x50, s28  }
0xf: {  	s10 =	smax.u32 s10, $0x1;
	s30 =	sadd.s32 $0xA0, s28;
	s12 =	sshrl.u32 s28, $0x3  }
0x10: {  	s11 =	sadd.s32 s9, s6;
	s16 =	sadd.s32 s8, s6;
	s9 =	sadd.s32 s13, s9  }
0x11: {  	s14 =	sshrl.u32 s30, $0x3;
	s12 =	sadd.s32 s12, s13;
	s6 =	sadd.s32 $0xBA00, s11  }
0x12: {  	s7 =	sadd.s32 $0x4CE, s9;
	s8 =	sadd.s32 $0x4D8, s9;
	s9 =	sadd.s32 $0x18000, s16  }
0x13: {  	s11 =	sshrl.u32 s29, $0x3;
	s16 =	sshrl.u32 s17, $0x3;
	s17 =	simm.s32 $0x50  }
0x14: {  	s11 =	sadd.s32 s11, s13;
	s13 =	sadd.s32 s14, s13;
	s14 =	simm.s32 $0x4  }
.LBB2_1:
0x15: {  	[tilespmem:s4], [sflag:$0x4] =	stream.linear.gather [hbm4b:s6+s4], $0x2710, $0x38;
	[tilespmem:$0x1DC00] =	vst v63  }
0x16: {  	_ =	swait.ge [sflag:s14], $0x2710  }
0x17: {  	[sflag:s14] =	ssyncset.done $0x0  }
0x18: {  	[sflag:s14] =	ssyncadd.s32 $0xFFFFD8F0  }
0x19: {  	[spmem:s16], [sflag:s15] =	dma.local [hbm:s5], $0x2780  }
0x1a: {  	_ =	swait.ge [sflag:s14], $0x2780  }
0x1b: {  	[sflag:s14] =	ssyncset.done $0x0  }
0x1c: {  	[sflag:s14] =	ssyncadd.s32 $0xFFFFD880  }
0x1d: {  	[bflag:$0x0] =	sbarrier.arrive $0xFFFF  }
0x1e: {  	[tilespmem:s18], [sflag:$0x1] =	stream.indirect.gather [hbm4b:s2+s17], $0x80, s4, s17, $0xb8;
	[tilespmem:$0x1DC00] =	vst v63  }
0x1f: {  	_ = 	snop  }
0x20: {  	[tilespmem:s19], [sflag:$0x2] =	stream.indirect.gather [hbm4b:s2+s17], $0x80, s17, s17, $0xb8;
	[tilespmem:$0x1DC00] =	vst v63  }
0x21: {  	_ =	swait.ge [sflag:s20], $0x2800  }
0x22: {  	[sflag:s20] =	ssyncset.done $0x0  }
0x23: {  	s26 =	simm.s32 $0xA0;
	[sflag:s20] =	ssyncadd.s32 $0xFFFFD800  }
0x24: {  	[tilespmem:s21], [sflag:$0x3] =	stream.indirect.gather [hbm4b:s2+s17], $0x80, s26, s17, $0xb8;
	[tilespmem:$0x1DC00] =	vst v63  }
0x25: {  	_ = 	snop  }
0x26: {  	[tilespmem:s22], [sflag:$0x4] =	stream.linear.gather [hbm4b:s12+s4], $0x50, $0x38;
	[tilespmem:$0x1DC00] =	vst v63  }
0x27: {  	_ =	swait.ge [sflag:s14], $0x50  }
0x28: {  	[sflag:s14] =	ssyncset.done $0x0  }
0x29: {  	[sflag:s14] =	ssyncadd.s32 $0xFFFFFFB0  }
0x2a: {  	[spmem:s3] =	stream.indirect.scatter.add.f32 [tilespmem:s18], [sflag:$0x4], $0x80, s22, s17, $0xb8;
	[tilespmem:$0x1DC00] =	vst v63  }
0x2b: {  	_ =	swait.ge [sflag:s14], $0x2800  }
0x2c: {  	[sflag:s14] =	ssyncset.done $0x0  }
0x2d: {  	[sflag:s14] =	ssyncadd.s32 $0xFFFFD800  }
0x2e: {  	_ =	swait.ge [sflag:s23], $0x2800  }
0x2f: {  	[sflag:s23] =	ssyncset.done $0x0  }
0x30: {  	s1 =	simm.s32 $0xF0;
	[sflag:s23] =	ssyncadd.s32 $0xFFFFD800  }
0x31: {  	[tilespmem:s18], [sflag:$0x1] =	stream.indirect.gather [hbm4b:s2+s17], $0x80, s1, s17, $0xb8;
	[tilespmem:$0x1DC00] =	vst v63  }
0x32: {  	_ = 	snop  }
0x33: {  	[tilespmem:s22], [sflag:$0x4] =	stream.linear.gather [hbm4b:s11+s4], $0x50, $0x38;
	[tilespmem:$0x1DC00] =	vst v63  }
0x34: {  	_ =	swait.ge [sflag:s14], $0x50  }
0x35: {  	[sflag:s14] =	ssyncset.done $0x0  }
0x36: {  	[sflag:s14] =	ssyncadd.s32 $0xFFFFFFB0  }
0x37: {  	[spmem:s3] =	stream.indirect.scatter.add.f32 [tilespmem:s19], [sflag:$0x4], $0x80, s22, s17, $0xb8;
	[tilespmem:$0x1DC00] =	vst v63  }
0x38: {  	_ =	swait.ge [sflag:s14], $0x2800  }
0x39: {  	[sflag:s14] =	ssyncset.done $0x0  }
0x3a: {  	[sflag:s14] =	ssyncadd.s32 $0xFFFFD800  }
0x3b: {  	_ =	swait.ge [sflag:s24], $0x2800  }
0x3c: {  	[sflag:s24] =	ssyncset.done $0x0  }
0x3d: {  	s31 =	simm.s32 $0x140;
	[sflag:s24] =	ssyncadd.s32 $0xFFFFD800  }
0x3e: {  	[tilespmem:s19], [sflag:$0x2] =	stream.indirect.gather [hbm4b:s2+s17], $0x80, s31, s17, $0xb8;
	[tilespmem:$0x1DC00] =	vst v63  }
0x3f: {  	_ = 	snop  }
0x40: {  	[tilespmem:s22], [sflag:$0x4] =	stream.linear.gather [hbm4b:s13+s4], $0x50, $0x38;
	[tilespmem:$0x1DC00] =	vst v63  }
0x41: {  	_ =	swait.ge [sflag:s14], $0x50  }
0x42: {  	[sflag:s14] =	ssyncset.done $0x0  }
0x43: {  	[sflag:s14] =	ssyncadd.s32 $0xFFFFFFB0  }
0x44: {  	[spmem:s3] =	stream.indirect.scatter.add.f32 [tilespmem:s21], [sflag:$0x4], $0x80, s22, s17, $0xb8;
	[tilespmem:$0x1DC00] =	vst v63  }
0x45: {  	s28 =	sadd.s32 $0x1E, s13;
	s29 =	smov.u32 s11;
	_ =	swait.ge [sflag:s14], $0x2800  }
0x46: {  	s30 =	smov.u32 s12;
	s26 =	simm.s32 $0x3C0;
	[sflag:s14] =	ssyncset.done $0x0  }
.LBB2_2:
0x47: {  	[sflag:s14] =	ssyncadd.s32 $0xFFFFD800  }
0x48: {  	s29 =	sadd.s32 $0x1E, s29;
	s30 =	sadd.s32 $0x1E, s30;
	s31 =	smov.u32 s26  }
0x49: {  	p0 =	sne.s32 s26, $0x9600;
	s26 =	sadd.s32 $0x3C0, s26;
	_ =	swait.ge [sflag:s20], $0x2800  }
0x4a: {  	s31 =	sshra.s32 s31, $0x2;
	[sflag:s20] =	ssyncset.done $0x0  }
0x4b: {  	s1 =	sadd.s32 $0xA0, s31;
	[sflag:s20] =	ssyncadd.s32 $0xFFFFD800  }
0x4c: {  	[tilespmem:s21], [sflag:$0x3] =	stream.indirect.gather [hbm4b:s2+s17], $0x80, s1, s17, $0xb8;
	[tilespmem:$0x1DC00] =	vst v63  }
0x4d: {  	_ = 	snop  }
0x4e: {  	[tilespmem:s22], [sflag:$0x4] =	stream.linear.gather [hbm4b:s30+s4], $0x50, $0x38;
	[tilespmem:$0x1DC00] =	vst v63  }
0x4f: {  	_ =	swait.ge [sflag:s14], $0x50  }
0x50: {  	[sflag:s14] =	ssyncset.done $0x0  }
0x51: {  	[sflag:s14] =	ssyncadd.s32 $0xFFFFFFB0  }
0x52: {  	[spmem:s3] =	stream.indirect.scatter.add.f32 [tilespmem:s18], [sflag:$0x4], $0x80, s22, s17, $0xb8;
	[tilespmem:$0x1DC00] =	vst v63  }
0x53: {  	_ =	swait.ge [sflag:s14], $0x2800  }
0x54: {  	[sflag:s14] =	ssyncset.done $0x0  }
0x55: {  	[sflag:s14] =	ssyncadd.s32 $0xFFFFD800  }
0x56: {  	_ =	swait.ge [sflag:s23], $0x2800  }
0x57: {  	[sflag:s23] =	ssyncset.done $0x0  }
0x58: {  	s1 =	sadd.s32 $0xF0, s31;
	[sflag:s23] =	ssyncadd.s32 $0xFFFFD800  }
0x59: {  	[tilespmem:s18], [sflag:$0x1] =	stream.indirect.gather [hbm4b:s2+s17], $0x80, s1, s17, $0xb8;
	[tilespmem:$0x1DC00] =	vst v63  }
0x5a: {  	_ = 	snop  }
0x5b: {  	[tilespmem:s22], [sflag:$0x4] =	stream.linear.gather [hbm4b:s29+s4], $0x50, $0x38;
	[tilespmem:$0x1DC00] =	vst v63  }
0x5c: {  	_ =	swait.ge [sflag:s14], $0x50  }
0x5d: {  	[sflag:s14] =	ssyncset.done $0x0  }
0x5e: {  	[sflag:s14] =	ssyncadd.s32 $0xFFFFFFB0  }
0x5f: {  	[spmem:s3] =	stream.indirect.scatter.add.f32 [tilespmem:s19], [sflag:$0x4], $0x80, s22, s17, $0xb8;
	[tilespmem:$0x1DC00] =	vst v63  }
0x60: {  	_ =	swait.ge [sflag:s14], $0x2800  }
0x61: {  	[sflag:s14] =	ssyncset.done $0x0  }
0x62: {  	[sflag:s14] =	ssyncadd.s32 $0xFFFFD800  }
0x63: {  	_ =	swait.ge [sflag:s24], $0x2800  }
0x64: {  	[sflag:s24] =	ssyncset.done $0x0  }
0x65: {  	s1 =	sadd.s32 $0x140, s31;
	[sflag:s24] =	ssyncadd.s32 $0xFFFFD800  }
0x66: {  	[tilespmem:s19], [sflag:$0x2] =	stream.indirect.gather [hbm4b:s2+s17], $0x80, s1, s17, $0xb8;
	[tilespmem:$0x1DC00] =	vst v63  }
0x67: {  	_ = 	snop  }
0x68: {  	[tilespmem:s22], [sflag:$0x4] =	stream.linear.gather [hbm4b:s28+s4], $0x50, $0x38;
	[tilespmem:$0x1DC00] =	vst v63  }
0x69: {  	_ =	swait.ge [sflag:s14], $0x50  }
.Ltmp0:
0x6a: {  	[sflag:s14] =	ssyncset.done $0x0;
	(pc) =	sbr.rel @p0 .LBB2_2-.Ltmp0, $4  }
0x6b: {  	[sflag:s14] =	ssyncadd.s32 $0xFFFFFFB0  }
0x6c: {  	[spmem:s3] =	stream.indirect.scatter.add.f32 [tilespmem:s21], [sflag:$0x4], $0x80, s22, s17, $0xb8;
	[tilespmem:$0x1DC00] =	vst v63  }
0x6d: {  	_ =	swait.ge [sflag:s14], $0x2800  }
0x6e: {  	s28 =	sadd.s32 $0x1E, s28;
	[sflag:s14] =	ssyncset.done $0x0  }
0x6f: {  	[sflag:s14] =	ssyncadd.s32 $0xFFFFD800  }
0x70: {  	_ =	swait.ge [sflag:s20], $0x2800  }
0x71: {  	[sflag:s20] =	ssyncset.done $0x0  }
0x72: {  	[sflag:s20] =	ssyncadd.s32 $0xFFFFD800  }
0x73: {  	[tilespmem:s22], [sflag:$0x4] =	stream.linear.gather [hbm4b:s7+s4], $0x50, $0x38;
	[tilespmem:$0x1DC00] =	vst v63  }
0x74: {  	_ =	swait.ge [sflag:s14], $0x50  }
0x75: {  	[sflag:s14] =	ssyncset.done $0x0  }
0x76: {  	[sflag:s14] =	ssyncadd.s32 $0xFFFFFFB0  }
0x77: {  	[spmem:s3] =	stream.indirect.scatter.add.f32 [tilespmem:s18], [sflag:$0x4], $0x80, s22, s17, $0xb8;
	[tilespmem:$0x1DC00] =	vst v63  }
0x78: {  	_ =	swait.ge [sflag:s14], $0x2800  }
0x79: {  	[sflag:s14] =	ssyncset.done $0x0  }
0x7a: {  	[sflag:s14] =	ssyncadd.s32 $0xFFFFD800  }
0x7b: {  	_ =	swait.ge [sflag:s23], $0x2800  }
0x7c: {  	[sflag:s23] =	ssyncset.done $0x0  }
0x7d: {  	[sflag:s23] =	ssyncadd.s32 $0xFFFFD800  }
0x7e: {  	[tilespmem:s22], [sflag:$0x4] =	stream.linear.gather [hbm4b:s8+s4], $0x50, $0x38;
	[tilespmem:$0x1DC00] =	vst v63  }
0x7f: {  	_ =	swait.ge [sflag:s14], $0x50  }
0x80: {  	[sflag:s14] =	ssyncset.done $0x0  }
0x81: {  	[sflag:s14] =	ssyncadd.s32 $0xFFFFFFB0  }
0x82: {  	[spmem:s3] =	stream.indirect.scatter.add.f32 [tilespmem:s19], [sflag:$0x4], $0x80, s22, s17, $0xb8;
	[tilespmem:$0x1DC00] =	vst v63  }
0x83: {  	_ =	swait.ge [sflag:s14], $0x2800  }
0x84: {  	s25 =	sadd.s32 $0x1, s25;
	[sflag:s14] =	ssyncset.done $0x0  }
0x85: {  	p0 =	sne.s32 s25, s10;
	[sflag:s14] =	ssyncadd.s32 $0xFFFFD800  }
.Ltmp1:
0x86: {  	[bflag:$0x0] =	sbarrier.arrive $0xFFFF;
	(pc) =	sbr.rel @p0 .LBB2_1-.Ltmp1, $4  }
0x87: {  	[hbm:s9], [sflag:s15] =	dma.local [spmem:s16], $0x2780  }
0x88: {  	_ =	swait.ge [sflag:s14], $0x2780  }
0x89: {  	[sflag:s14] =	ssyncset.done $0x0  }
0x8a: {  	[sflag:s14] =	ssyncadd.s32 $0xFFFFD880  }
0x8b: {  	_ =	sfence.sel $0x180000  }
0x8c: {  	[bflag:$0x0] =	sbarrier.arrive $0xFFFF  }
0x8d: {  	_ =	strace $0x9000004A  }
0x8e: {  	[bflag:$0x2] =	sbarrier.arrive $0xFFFF  }
0x8f: {  	p0 =	sne.s32 s0, $0x0;
	s0 =	rddreg [dreg:$0x3]  }
0x90: {  	s0 =	sadd.s32 @!p0 $0x100000, s0  }
0x91: {  	[sflag:s0] =	ssyncadd.tile.s32 @!p0 $0x1;
	_ =	shalt  }
.Lfunc_end2:
_tile_overlayer_lowered:
.L_overlay_start_2:
0x92: {  	(tag) =	ssettag $0x2  }
0x93: {  	s0 =	rddreg [dreg:$0x0];
	s2 =	stileid.u32  }
0x94: {  	s1 =	rddreg [dreg:$0x1];
	p0 =	sne.s32 s2, $0x0  }
0x95: {  	s3 =	rddreg [dreg:$0x2];
	[bflag:$0x3] =	sbarrier.arrive $0xFFFF;
	s2 =	simm.s32 @!p0 $0x1C04  }
0x96: {  	[timem:s3], [sflag:s2] =	dma.local @!p0 [hbm:s0], s1  }
0x97: {  	s0 =	simm.s32 @!p0 $0x4  }
0x98: {  	_ =	swait.ge @!p0 [sflag:s0], s1  }
0x99: {  	s1 =	ssub.s32 @!p0 $0x0, s1;
	[sflag:s0] =	ssyncset.done @!p0 $0x0  }
0x9a: {  	[sflag:s0] =	ssyncadd.s32 @!p0 s1  }
0x9b: {  	[bflag:$0x3] =	sbarrier.arrive $0xFFFF  }
0x9c: {  	_ =	shalt  }

</sc_bundles>
